<compile_context>
chip_gen: v7x
topology: tpu7x:2x2x1
jax: 0.10.2.dev20260603
libtpu: 0.0.44.dev20260713+nightly
codegen_flags: <defaults>
</compile_context>

<pallas_src>
import jax
import jax.numpy as jnp
from jax import lax
from jax.experimental import pallas as pl
from jax.experimental.pallas import tpu as pltpu, tpu_sc as plsc

_BATCH = 200
_DMAX = 50
_DIM = 512
_LANES = 16
_NCORES = 2
_GRP = 10
_KFAST = 4
_CMAX_FAST = 0.05


def _echo_body(z_hbm, cap_hbm, inds_hbm, out_hbm,
               zv, idxf, idxp, capv, outv, zsem, isem):
    wid = lax.axis_index("s") * _NCORES + lax.axis_index("c")
    d0 = wid * _LANES

    zcp = pltpu.async_copy(z_hbm.at[:, pl.ds(d0, _LANES)], zv, zsem)
    icp = pltpu.async_copy(inds_hbm.at[:, pl.ds(0, 16)], idxf, isem)
    pltpu.sync_copy(cap_hbm.at[pl.ds(d0, _LANES)], capv)

    c = 1.0 / (1.0 + jnp.exp(-capv[...]))
    fast = jnp.max(c, axis=0) < _CMAX_FAST
    zcp.wait()
    icp.wait()

    def fast_path(_):
        c2 = c * c

        def group(g, csum):
            base = g * _GRP
            ivecs = [idxf[base + s, pl.ds(0, 16)] for s in range(_GRP)]
            acc_e = [None] * _GRP
            acc_o = [None] * _GRP
            for j in range(_KFAST - 1, -1, -1):
                acc = acc_o if j % 2 else acc_e
                for s in range(_GRP):
                    row = zv[ivecs[s][2 * j + 1]]
                    acc[s] = row if acc[s] is None else acc[s] * c2 + row
            for s in range(_GRP):
                tot = acc_e[s] + c * acc_o[s]
                outv[base + s] = tot
                csum = csum + tot
            return csum

        return lax.fori_loop(0, _BATCH // _GRP, group,
                             jnp.zeros((_LANES,), jnp.float32))

    def slow_path(_):
        pltpu.sync_copy(inds_hbm, idxp)

        def sample(b, csum):
            bvec = jnp.full((16,), b, jnp.int32)
            ivecs = [
                plsc.load_gather(
                    idxp, [bvec,
                           lax.iota(jnp.int32, 16) * 2 + (32 * blk + 1)])
                for blk in range(4)
            ]
            acc = None
            for j in range(_DMAX - 1, -1, -1):
                row = zv[ivecs[j // 16][j % 16]]
                acc = row if acc is None else acc * c + row
            outv[b] = acc
            return csum + acc

        return lax.fori_loop(0, _BATCH, sample,
                             jnp.zeros((_LANES,), jnp.float32))

    csum = lax.cond(fast, fast_path, slow_path, 0)
    mean = csum * (1.0 / _BATCH)

    def finish(g, carry):
        base = g * _GRP
        for s in range(_GRP):
            b = base + s
            outv[b] = zv[b] + c * (outv[b] - mean)
        return carry

    lax.fori_loop(0, _BATCH // _GRP, finish, 0)
    pltpu.sync_copy(outv, out_hbm.at[:, pl.ds(d0, _LANES)])


@jax.jit
def _echo(z_mean, cap_param, inds):
    mesh = plsc.VectorSubcoreMesh(core_axis_name="c", subcore_axis_name="s")
    return pl.kernel(
        _echo_body,
        out_type=jax.ShapeDtypeStruct((_BATCH, _DIM), jnp.float32),
        mesh=mesh,
        compiler_params=pltpu.CompilerParams(use_tc_tiling_on_sc=False,
                                             needs_layout_passes=False,
                                             disable_bounds_checks=True,
                                             disable_semaphore_checks=True,
                                             skip_device_barrier=True),
        scratch_types=[
            pltpu.VMEM((_BATCH, _LANES), jnp.float32),
            pltpu.VMEM((_BATCH, _LANES), jnp.int32),
            pltpu.VMEM((_BATCH, 2 * _DMAX), jnp.int32),
            pltpu.VMEM((_LANES,), jnp.float32),
            pltpu.VMEM((_BATCH, _LANES), jnp.float32),
            pltpu.SemaphoreType.DMA,
            pltpu.SemaphoreType.DMA,
        ],
    )(z_mean, cap_param, inds)


def kernel(z_mean, cap_param, inds):
    return _echo(z_mean, cap_param, inds.reshape(_BATCH, 2 * _DMAX))

# --- scband reference (transcript-rebuilt; emitter-appended) ---
"""Pipeline reference for scband-echo-61280593380089 (READ-ONLY COPY).

The authoritative reference and input builder live on the scoring server;
editing this copy changes nothing except your own understanding.
"""

import jax, jax.numpy as jnp
import numpy as np

BATCH = 200
D_MAX = 50
DIM = 512
INIT = -5.0


def _permute_neighbor_indices(batch_size, d_max, seed=0):
    # Deterministic version of the layer's permute_neighbor_indices (python
    # random.shuffle replaced by seeded numpy shuffle for reproducibility).
    rng = np.random.RandomState(seed)
    inds = []
    for i in range(batch_size):
        sub_batch = list(range(batch_size))
        sub_batch.pop(i)
        rng.shuffle(sub_batch)
        inds.append(list(enumerate(sub_batch[:d_max])))
    return np.asarray(inds, dtype=np.int32)  # [batch, d_max, 2] -> (k, neighbor)


def setup_inputs(seed: int = 0) -> dict:
    key = jax.random.key(seed)
    z_mean = jax.random.normal(key, (BATCH, DIM), dtype=jnp.float32)
    # learned parameter: capacity, Constant(init) initializer, shape (dim,)
    cap_param = jnp.full((DIM,), INIT, dtype=jnp.float32)
    inds = jnp.asarray(_permute_neighbor_indices(BATCH, D_MAX))
    return {"z_mean": z_mean, "cap_param": cap_param, "inds": inds}


def reference(z_mean, cap_param, inds):
    # noise == 'additive', periodic == False
    c = jax.nn.sigmoid(cap_param)  # [dim]
    ks = jnp.arange(D_MAX, dtype=jnp.float32)  # exponents k = 0..d_max-1
    c_pow = c[None, :] ** ks[:, None]  # [d_max, dim]
    # tf.stack([c**k * z_mean for k in range(d_max)]) -> [d_max, batch, dim]
    c_z_stack = c_pow[:, None, :] * z_mean[None, :, :]
    # tf.gather_nd(c_z_stack, inds) with inds[b, j] = (k=j, neighbor index)
    noise = c_z_stack[inds[..., 0], inds[..., 1]]  # [batch, d_max, dim]
    noise = jnp.sum(noise, axis=1)  # [batch, dim]
    noise = noise - jnp.mean(noise, axis=0)
    noisy_encoder = z_mean + c * noise
    return noisy_encoder

if __name__ == "__main__":
    import jax
    _d = setup_inputs()
    print(jax.jit(kernel)(*tuple(_d.values())))

</pallas_src>

<mosaic_0001>
#map = affine_map<(d0, d1) -> (0, 0)>
#map1 = affine_map<(d0, d1) -> (0)>
module attributes {stable_mosaic.version = 14 : i64} {
  func.func @_echo_body(%arg0: i32, %arg1: i32, %arg2: memref<200x512xf32, #tpu.memory_space<hbm>>, %arg3: memref<512xf32, #tpu.memory_space<hbm>>, %arg4: memref<200x100xi32, #tpu.memory_space<hbm>>, %arg5: memref<200x512xf32, #tpu.memory_space<hbm>>, %arg6: memref<200x16xf32, #tpu.memory_space<vmem>>, %arg7: memref<200x16xi32, #tpu.memory_space<vmem>>, %arg8: memref<200x100xi32, #tpu.memory_space<vmem>>, %arg9: memref<16xf32, #tpu.memory_space<vmem>>, %arg10: memref<200x16xf32, #tpu.memory_space<vmem>>, %arg11: memref<!tpu.dma_semaphore, #tpu.memory_space<semaphore_mem>>, %arg12: memref<!tpu.dma_semaphore, #tpu.memory_space<semaphore_mem>>) attributes {dimension_semantics = [#tpu.dimension_semantics<core_parallel>, #tpu.dimension_semantics<subcore_parallel>], iteration_bounds = array<i64: 2, 16>, scalar_prefetch = 0 : i64, scratch_operands = 7 : i64, tpu.core_type = #tpu.core_type<sc_vector_subcore>, window_params = [{transform_indices = #map}, {transform_indices = #map1}, {transform_indices = #map}, {transform_indices = #map}]} {
    %mul3A = arith.constant 2 : i32
    %mul3A_0 = arith.muli %arg1, %mul3A : i32
    %add3A = arith.addi %mul3A_0, %arg0 : i32
    %mul3A_1 = arith.constant 16 : i32
    %mul3A_2 = arith.muli %add3A, %mul3A_1 : i32
    %dma_start3A = arith.constant 0 : i32
    %dma_start3A_3 = tpu.memref_slice %arg2[%dma_start3A, %mul3A_2] : memref<200x512xf32, #tpu.memory_space<hbm>> -> memref<200x16xf32, #tpu.memory_space<hbm>>
    %dma_start3A_4 = arith.constant 0 : i32
    %dma_start3A_5 = tpu.memref_slice %arg2[%dma_start3A_4, %mul3A_2] : memref<200x512xf32, #tpu.memory_space<hbm>> -> memref<200x16xf32, #tpu.memory_space<hbm>>
    tpu.enqueue_dma source(%dma_start3A_5 : memref<200x16xf32, #tpu.memory_space<hbm>>) target(%arg6 : memref<200x16xf32, #tpu.memory_space<vmem>>) target_semaphore(%arg11 : memref<!tpu.dma_semaphore, #tpu.memory_space<semaphore_mem>>)
    %dma_start3A_6 = arith.constant 0 : i32
    %dma_start3A_7 = arith.constant 0 : i32
    %dma_start3A_8 = tpu.memref_slice %arg4[%dma_start3A_6, %dma_start3A_7] : memref<200x100xi32, #tpu.memory_space<hbm>> -> memref<200x16xi32, #tpu.memory_space<hbm>>
    %dma_start3A_9 = arith.constant 0 : i32
    %dma_start3A_10 = arith.constant 0 : i32
    %dma_start3A_11 = tpu.memref_slice %arg4[%dma_start3A_9, %dma_start3A_10] : memref<200x100xi32, #tpu.memory_space<hbm>> -> memref<200x16xi32, #tpu.memory_space<hbm>>
    tpu.enqueue_dma source(%dma_start3A_11 : memref<200x16xi32, #tpu.memory_space<hbm>>) target(%arg7 : memref<200x16xi32, #tpu.memory_space<vmem>>) target_semaphore(%arg12 : memref<!tpu.dma_semaphore, #tpu.memory_space<semaphore_mem>>)
    "tpu.region"() ({
      %run_scoped3A = tpu.sem_alloc : memref<!tpu.dma_semaphore, #tpu.memory_space<semaphore_mem>>
      %dma_start3A_44 = tpu.memref_slice %arg3[%mul3A_2] : memref<512xf32, #tpu.memory_space<hbm>> -> memref<16xf32, #tpu.memory_space<hbm>>
      %dma_start3A_45 = tpu.memref_slice %arg3[%mul3A_2] : memref<512xf32, #tpu.memory_space<hbm>> -> memref<16xf32, #tpu.memory_space<hbm>>
      tpu.enqueue_dma source(%dma_start3A_45 : memref<16xf32, #tpu.memory_space<hbm>>) target(%arg9 : memref<16xf32, #tpu.memory_space<vmem>>) target_semaphore(%run_scoped3A : memref<!tpu.dma_semaphore, #tpu.memory_space<semaphore_mem>>)
      %dma_wait3A_46 = tpu.memref_slice %arg3[%mul3A_2] : memref<512xf32, #tpu.memory_space<hbm>> -> memref<16xf32, #tpu.memory_space<hbm>>
      %dma_wait3A_47 = tpu.memref_slice %arg3[%mul3A_2] : memref<512xf32, #tpu.memory_space<hbm>> -> memref<16xf32, #tpu.memory_space<hbm>>
      tpu.wait_dma2 semaphore(%run_scoped3A : memref<!tpu.dma_semaphore, #tpu.memory_space<semaphore_mem>>) src(%dma_wait3A_47 : memref<16xf32, #tpu.memory_space<hbm>>) dst(%arg9 : memref<16xf32, #tpu.memory_space<vmem>>)
      tpu.yield
    }) : () -> ()
    %get3A = arith.constant 0 : index
    %get3A_12 = tpu.vector_load %arg9[%get3A] {strides = array<i32>} : memref<16xf32, #tpu.memory_space<vmem>>, vector<16xf32>,
    %neg3A = arith.constant 0.000000e+00 : f32
    %neg3A_13 = vector.broadcast %neg3A : f32 to vector<16xf32>
    %neg3A_14 = arith.subf %neg3A_13, %get3A_12 : vector<16xf32>
    %exp3A = math.exp %neg3A_14 : vector<16xf32>
    %add3A_15 = arith.constant 1.000000e+00 : f32
    %add3A_16 = vector.broadcast %add3A_15 : f32 to vector<16xf32>
    %add3A_17 = arith.addf %add3A_16, %exp3A : vector<16xf32>
    %div3A = arith.constant 1.000000e+00 : f32
    %div3A_18 = vector.broadcast %div3A : f32 to vector<16xf32>
    %div3A_19 = arith.divf %div3A_18, %add3A_17 : vector<16xf32>
    %reduce_max3A = arith.constant true
    %reduce_max3A_20 = vector.broadcast %reduce_max3A : i1 to vector<16xi1>
    %reduce_max3A_21 = tpu.scan <max>, %div3A_19 masked %reduce_max3A_20 : vector<16xf32>, vector<16xi1> -> vector<16xf32>
    %reduce_max3A_22 = vector.extract %reduce_max3A_21[15] : f32 from vector<16xf32>
    %lt3A = arith.constant 5.000000e-02 : f32
    %lt3A_23 = arith.cmpf olt, %reduce_max3A_22, %lt3A : f32
    %dma_wait3A = arith.constant 0 : i32
    %dma_wait3A_24 = tpu.memref_slice %arg2[%dma_wait3A, %mul3A_2] : memref<200x512xf32, #tpu.memory_space<hbm>> -> memref<200x16xf32, #tpu.memory_space<hbm>>
    %dma_wait3A_25 = arith.constant 0 : i32
    %dma_wait3A_26 = tpu.memref_slice %arg2[%dma_wait3A_25, %mul3A_2] : memref<200x512xf32, #tpu.memory_space<hbm>> -> memref<200x16xf32, #tpu.memory_space<hbm>>
    tpu.wait_dma2 semaphore(%arg11 : memref<!tpu.dma_semaphore, #tpu.memory_space<semaphore_mem>>) src(%dma_wait3A_26 : memref<200x16xf32, #tpu.memory_space<hbm>>) dst(%arg6 : memref<200x16xf32, #tpu.memory_space<vmem>>)
    %dma_wait3A_27 = arith.constant 0 : i32
    %dma_wait3A_28 = arith.constant 0 : i32
    %dma_wait3A_29 = tpu.memref_slice %arg4[%dma_wait3A_27, %dma_wait3A_28] : memref<200x100xi32, #tpu.memory_space<hbm>> -> memref<200x16xi32, #tpu.memory_space<hbm>>
    %dma_wait3A_30 = arith.constant 0 : i32
    %dma_wait3A_31 = arith.constant 0 : i32
    %dma_wait3A_32 = tpu.memref_slice %arg4[%dma_wait3A_30, %dma_wait3A_31] : memref<200x100xi32, #tpu.memory_space<hbm>> -> memref<200x16xi32, #tpu.memory_space<hbm>>
    tpu.wait_dma2 semaphore(%arg12 : memref<!tpu.dma_semaphore, #tpu.memory_space<semaphore_mem>>) src(%dma_wait3A_32 : memref<200x16xi32, #tpu.memory_space<hbm>>) dst(%arg7 : memref<200x16xi32, #tpu.memory_space<vmem>>)
    %convert_element_type3A = arith.extui %lt3A_23 : i1 to i32
    %cond3A = arith.constant 0 : i32
    %cond3A_33 = arith.constant 0 : i32
    %cond3A_34 = arith.cmpi ne, %convert_element_type3A, %cond3A_33 : i32
    %cond3A_35 = scf.if %cond3A_34 -> (vector<16xf32>) {
      %mul3A_44 = arith.mulf %div3A_19, %div3A_19 : vector<16xf32>
      %broadcast_in_dim3A = arith.constant 0.000000e+00 : f32
      %broadcast_in_dim3A_45 = vector.broadcast %broadcast_in_dim3A : f32 to vector<16xf32>
      %scan3A_46 = arith.constant 0 : i32
      %scan3A_47 = arith.constant 20 : i32
      %scan3A_48 = arith.addi %scan3A_46, %scan3A_47 : i32
      %scan3A_49 = arith.constant 1 : i32
      %scan3A_50 = scf.for %scan3A_52 = %scan3A_46 to %scan3A_48 step %scan3A_49 iter_args(%scan3A_53 = %broadcast_in_dim3A_45) -> (vector<16xf32>)  : i32 {
        %mul3A_54 = arith.constant 10 : i32
        %mul3A_55 = arith.muli %scan3A_52, %mul3A_54 : i32
        %add3A_56 = arith.constant 0 : i32
        %add3A_57 = arith.addi %mul3A_55, %add3A_56 : i32
        %get3A_58 = arith.index_cast %add3A_57 : i32 to index
        %get3A_59 = arith.constant 0 : index
        %get3A_60 = tpu.vector_load %arg7[%get3A_58, %get3A_59] {strides = array<i32>} : memref<200x16xi32, #tpu.memory_space<vmem>>, vector<16xi32>,
        %add3A_61 = arith.constant 1 : i32
        %add3A_62 = arith.addi %mul3A_55, %add3A_61 : i32
        %get3A_63 = arith.index_cast %add3A_62 : i32 to index
        %get3A_64 = arith.constant 0 : index
        %get3A_65 = tpu.vector_load %arg7[%get3A_63, %get3A_64] {strides = array<i32>} : memref<200x16xi32, #tpu.memory_space<vmem>>, vector<16xi32>,
        %add3A_66 = arith.constant 2 : i32
        %add3A_67 = arith.addi %mul3A_55, %add3A_66 : i32
        %get3A_68 = arith.index_cast %add3A_67 : i32 to index
        %get3A_69 = arith.constant 0 : index
        %get3A_70 = tpu.vector_load %arg7[%get3A_68, %get3A_69] {strides = array<i32>} : memref<200x16xi32, #tpu.memory_space<vmem>>, vector<16xi32>,
        %add3A_71 = arith.constant 3 : i32
        %add3A_72 = arith.addi %mul3A_55, %add3A_71 : i32
        %get3A_73 = arith.index_cast %add3A_72 : i32 to index
        %get3A_74 = arith.constant 0 : index
        %get3A_75 = tpu.vector_load %arg7[%get3A_73, %get3A_74] {strides = array<i32>} : memref<200x16xi32, #tpu.memory_space<vmem>>, vector<16xi32>,
        %add3A_76 = arith.constant 4 : i32
        %add3A_77 = arith.addi %mul3A_55, %add3A_76 : i32
        %get3A_78 = arith.index_cast %add3A_77 : i32 to index
        %get3A_79 = arith.constant 0 : index
        %get3A_80 = tpu.vector_load %arg7[%get3A_78, %get3A_79] {strides = array<i32>} : memref<200x16xi32, #tpu.memory_space<vmem>>, vector<16xi32>,
        %add3A_81 = arith.constant 5 : i32
        %add3A_82 = arith.addi %mul3A_55, %add3A_81 : i32
        %get3A_83 = arith.index_cast %add3A_82 : i32 to index
        %get3A_84 = arith.constant 0 : index
        %get3A_85 = tpu.vector_load %arg7[%get3A_83, %get3A_84] {strides = array<i32>} : memref<200x16xi32, #tpu.memory_space<vmem>>, vector<16xi32>,
        %add3A_86 = arith.constant 6 : i32
        %add3A_87 = arith.addi %mul3A_55, %add3A_86 : i32
        %get3A_88 = arith.index_cast %add3A_87 : i32 to index
        %get3A_89 = arith.constant 0 : index
        %get3A_90 = tpu.vector_load %arg7[%get3A_88, %get3A_89] {strides = array<i32>} : memref<200x16xi32, #tpu.memory_space<vmem>>, vector<16xi32>,
        %add3A_91 = arith.constant 7 : i32
        %add3A_92 = arith.addi %mul3A_55, %add3A_91 : i32
        %get3A_93 = arith.index_cast %add3A_92 : i32 to index
        %get3A_94 = arith.constant 0 : index
        %get3A_95 = tpu.vector_load %arg7[%get3A_93, %get3A_94] {strides = array<i32>} : memref<200x16xi32, #tpu.memory_space<vmem>>, vector<16xi32>,
        %add3A_96 = arith.constant 8 : i32
        %add3A_97 = arith.addi %mul3A_55, %add3A_96 : i32
        %get3A_98 = arith.index_cast %add3A_97 : i32 to index
        %get3A_99 = arith.constant 0 : index
        %get3A_100 = tpu.vector_load %arg7[%get3A_98, %get3A_99] {strides = array<i32>} : memref<200x16xi32, #tpu.memory_space<vmem>>, vector<16xi32>,
        %add3A_101 = arith.constant 9 : i32
        %add3A_102 = arith.addi %mul3A_55, %add3A_101 : i32
        %get3A_103 = arith.index_cast %add3A_102 : i32 to index
        %get3A_104 = arith.constant 0 : index
        %get3A_105 = tpu.vector_load %arg7[%get3A_103, %get3A_104] {strides = array<i32>} : memref<200x16xi32, #tpu.memory_space<vmem>>, vector<16xi32>,
        %slice3A = vector.extract_strided_slice %get3A_60 {offsets = [7], sizes = [1], strides = [1]} : vector<16xi32> to vector<1xi32>
        %squeeze3A = vector.extract %slice3A[0] : i32 from vector<1xi32>
        %get3A_106 = arith.index_cast %squeeze3A : i32 to index
        %get3A_107 = arith.constant 0 : index
        %get3A_108 = tpu.vector_load %arg6[%get3A_106, %get3A_107] {strides = array<i32>} : memref<200x16xf32, #tpu.memory_space<vmem>>, vector<16xf32>,
        %slice3A_109 = vector.extract_strided_slice %get3A_65 {offsets = [7], sizes = [1], strides = [1]} : vector<16xi32> to vector<1xi32>
        %squeeze3A_110 = vector.extract %slice3A_109[0] : i32 from vector<1xi32>
        %get3A_111 = arith.index_cast %squeeze3A_110 : i32 to index
        %get3A_112 = arith.constant 0 : index
        %get3A_113 = tpu.vector_load %arg6[%get3A_111, %get3A_112] {strides = array<i32>} : memref<200x16xf32, #tpu.memory_space<vmem>>, vector<16xf32>,
        %slice3A_114 = vector.extract_strided_slice %get3A_70 {offsets = [7], sizes = [1], strides = [1]} : vector<16xi32> to vector<1xi32>
        %squeeze3A_115 = vector.extract %slice3A_114[0] : i32 from vector<1xi32>
        %get3A_116 = arith.index_cast %squeeze3A_115 : i32 to index
        %get3A_117 = arith.constant 0 : index
        %get3A_118 = tpu.vector_load %arg6[%get3A_116, %get3A_117] {strides = array<i32>} : memref<200x16xf32, #tpu.memory_space<vmem>>, vector<16xf32>,
        %slice3A_119 = vector.extract_strided_slice %get3A_75 {offsets = [7], sizes = [1], strides = [1]} : vector<16xi32> to vector<1xi32>
        %squeeze3A_120 = vector.extract %slice3A_119[0] : i32 from vector<1xi32>
        %get3A_121 = arith.index_cast %squeeze3A_120 : i32 to index
        %get3A_122 = arith.constant 0 : index
        %get3A_123 = tpu.vector_load %arg6[%get3A_121, %get3A_122] {strides = array<i32>} : memref<200x16xf32, #tpu.memory_space<vmem>>, vector<16xf32>,
        %slice3A_124 = vector.extract_strided_slice %get3A_80 {offsets = [7], sizes = [1], strides = [1]} : vector<16xi32> to vector<1xi32>
        %squeeze3A_125 = vector.extract %slice3A_124[0] : i32 from vector<1xi32>
        %get3A_126 = arith.index_cast %squeeze3A_125 : i32 to index
        %get3A_127 = arith.constant 0 : index
        %get3A_128 = tpu.vector_load %arg6[%get3A_126, %get3A_127] {strides = array<i32>} : memref<200x16xf32, #tpu.memory_space<vmem>>, vector<16xf32>,
        %slice3A_129 = vector.extract_strided_slice %get3A_85 {offsets = [7], sizes = [1], strides = [1]} : vector<16xi32> to vector<1xi32>
        %squeeze3A_130 = vector.extract %slice3A_129[0] : i32 from vector<1xi32>
        %get3A_131 = arith.index_cast %squeeze3A_130 : i32 to index
        %get3A_132 = arith.constant 0 : index
        %get3A_133 = tpu.vector_load %arg6[%get3A_131, %get3A_132] {strides = array<i32>} : memref<200x16xf32, #tpu.memory_space<vmem>>, vector<16xf32>,
        %slice3A_134 = vector.extract_strided_slice %get3A_90 {offsets = [7], sizes = [1], strides = [1]} : vector<16xi32> to vector<1xi32>
        %squeeze3A_135 = vector.extract %slice3A_134[0] : i32 from vector<1xi32>
        %get3A_136 = arith.index_cast %squeeze3A_135 : i32 to index
        %get3A_137 = arith.constant 0 : index
        %get3A_138 = tpu.vector_load %arg6[%get3A_136, %get3A_137] {strides = array<i32>} : memref<200x16xf32, #tpu.memory_space<vmem>>, vector<16xf32>,
        %slice3A_139 = vector.extract_strided_slice %get3A_95 {offsets = [7], sizes = [1], strides = [1]} : vector<16xi32> to vector<1xi32>
        %squeeze3A_140 = vector.extract %slice3A_139[0] : i32 from vector<1xi32>
        %get3A_141 = arith.index_cast %squeeze3A_140 : i32 to index
        %get3A_142 = arith.constant 0 : index
        %get3A_143 = tpu.vector_load %arg6[%get3A_141, %get3A_142] {strides = array<i32>} : memref<200x16xf32, #tpu.memory_space<vmem>>, vector<16xf32>,
        %slice3A_144 = vector.extract_strided_slice %get3A_100 {offsets = [7], sizes = [1], strides = [1]} : vector<16xi32> to vector<1xi32>
        %squeeze3A_145 = vector.extract %slice3A_144[0] : i32 from vector<1xi32>
        %get3A_146 = arith.index_cast %squeeze3A_145 : i32 to index
        %get3A_147 = arith.constant 0 : index
        %get3A_148 = tpu.vector_load %arg6[%get3A_146, %get3A_147] {strides = array<i32>} : memref<200x16xf32, #tpu.memory_space<vmem>>, vector<16xf32>,
        %slice3A_149 = vector.extract_strided_slice %get3A_105 {offsets = [7], sizes = [1], strides = [1]} : vector<16xi32> to vector<1xi32>
        %squeeze3A_150 = vector.extract %slice3A_149[0] : i32 from vector<1xi32>
        %get3A_151 = arith.index_cast %squeeze3A_150 : i32 to index
        %get3A_152 = arith.constant 0 : index
        %get3A_153 = tpu.vector_load %arg6[%get3A_151, %get3A_152] {strides = array<i32>} : memref<200x16xf32, #tpu.memory_space<vmem>>, vector<16xf32>,
        %slice3A_154 = vector.extract_strided_slice %get3A_60 {offsets = [5], sizes = [1], strides = [1]} : vector<16xi32> to vector<1xi32>
        %squeeze3A_155 = vector.extract %slice3A_154[0] : i32 from vector<1xi32>
        %get3A_156 = arith.index_cast %squeeze3A_155 : i32 to index
        %get3A_157 = arith.constant 0 : index
        %get3A_158 = tpu.vector_load %arg6[%get3A_156, %get3A_157] {strides = array<i32>} : memref<200x16xf32, #tpu.memory_space<vmem>>, vector<16xf32>,
        %slice3A_159 = vector.extract_strided_slice %get3A_65 {offsets = [5], sizes = [1], strides = [1]} : vector<16xi32> to vector<1xi32>
        %squeeze3A_160 = vector.extract %slice3A_159[0] : i32 from vector<1xi32>
        %get3A_161 = arith.index_cast %squeeze3A_160 : i32 to index
        %get3A_162 = arith.constant 0 : index
        %get3A_163 = tpu.vector_load %arg6[%get3A_161, %get3A_162] {strides = array<i32>} : memref<200x16xf32, #tpu.memory_space<vmem>>, vector<16xf32>,
        %slice3A_164 = vector.extract_strided_slice %get3A_70 {offsets = [5], sizes = [1], strides = [1]} : vector<16xi32> to vector<1xi32>
        %squeeze3A_165 = vector.extract %slice3A_164[0] : i32 from vector<1xi32>
        %get3A_166 = arith.index_cast %squeeze3A_165 : i32 to index
        %get3A_167 = arith.constant 0 : index
        %get3A_168 = tpu.vector_load %arg6[%get3A_166, %get3A_167] {strides = array<i32>} : memref<200x16xf32, #tpu.memory_space<vmem>>, vector<16xf32>,
        %slice3A_169 = vector.extract_strided_slice %get3A_75 {offsets = [5], sizes = [1], strides = [1]} : vector<16xi32> to vector<1xi32>
        %squeeze3A_170 = vector.extract %slice3A_169[0] : i32 from vector<1xi32>
        %get3A_171 = arith.index_cast %squeeze3A_170 : i32 to index
        %get3A_172 = arith.constant 0 : index
        %get3A_173 = tpu.vector_load %arg6[%get3A_171, %get3A_172] {strides = array<i32>} : memref<200x16xf32, #tpu.memory_space<vmem>>, vector<16xf32>,
        %slice3A_174 = vector.extract_strided_slice %get3A_80 {offsets = [5], sizes = [1], strides = [1]} : vector<16xi32> to vector<1xi32>
        %squeeze3A_175 = vector.extract %slice3A_174[0] : i32 from vector<1xi32>
        %get3A_176 = arith.index_cast %squeeze3A_175 : i32 to index
        %get3A_177 = arith.constant 0 : index
        %get3A_178 = tpu.vector_load %arg6[%get3A_176, %get3A_177] {strides = array<i32>} : memref<200x16xf32, #tpu.memory_space<vmem>>, vector<16xf32>,
        %slice3A_179 = vector.extract_strided_slice %get3A_85 {offsets = [5], sizes = [1], strides = [1]} : vector<16xi32> to vector<1xi32>
        %squeeze3A_180 = vector.extract %slice3A_179[0] : i32 from vector<1xi32>
        %get3A_181 = arith.index_cast %squeeze3A_180 : i32 to index
        %get3A_182 = arith.constant 0 : index
        %get3A_183 = tpu.vector_load %arg6[%get3A_181, %get3A_182] {strides = array<i32>} : memref<200x16xf32, #tpu.memory_space<vmem>>, vector<16xf32>,
        %slice3A_184 = vector.extract_strided_slice %get3A_90 {offsets = [5], sizes = [1], strides = [1]} : vector<16xi32> to vector<1xi32>
        %squeeze3A_185 = vector.extract %slice3A_184[0] : i32 from vector<1xi32>
        %get3A_186 = arith.index_cast %squeeze3A_185 : i32 to index
        %get3A_187 = arith.constant 0 : index
        %get3A_188 = tpu.vector_load %arg6[%get3A_186, %get3A_187] {strides = array<i32>} : memref<200x16xf32, #tpu.memory_space<vmem>>, vector<16xf32>,
        %slice3A_189 = vector.extract_strided_slice %get3A_95 {offsets = [5], sizes = [1], strides = [1]} : vector<16xi32> to vector<1xi32>
        %squeeze3A_190 = vector.extract %slice3A_189[0] : i32 from vector<1xi32>
        %get3A_191 = arith.index_cast %squeeze3A_190 : i32 to index
        %get3A_192 = arith.constant 0 : index
        %get3A_193 = tpu.vector_load %arg6[%get3A_191, %get3A_192] {strides = array<i32>} : memref<200x16xf32, #tpu.memory_space<vmem>>, vector<16xf32>,
        %slice3A_194 = vector.extract_strided_slice %get3A_100 {offsets = [5], sizes = [1], strides = [1]} : vector<16xi32> to vector<1xi32>
        %squeeze3A_195 = vector.extract %slice3A_194[0] : i32 from vector<1xi32>
        %get3A_196 = arith.index_cast %squeeze3A_195 : i32 to index
        %get3A_197 = arith.constant 0 : index
        %get3A_198 = tpu.vector_load %arg6[%get3A_196, %get3A_197] {strides = array<i32>} : memref<200x16xf32, #tpu.memory_space<vmem>>, vector<16xf32>,
        %slice3A_199 = vector.extract_strided_slice %get3A_105 {offsets = [5], sizes = [1], strides = [1]} : vector<16xi32> to vector<1xi32>
        %squeeze3A_200 = vector.extract %slice3A_199[0] : i32 from vector<1xi32>
        %get3A_201 = arith.index_cast %squeeze3A_200 : i32 to index
        %get3A_202 = arith.constant 0 : index
        %get3A_203 = tpu.vector_load %arg6[%get3A_201, %get3A_202] {strides = array<i32>} : memref<200x16xf32, #tpu.memory_space<vmem>>, vector<16xf32>,
        %slice3A_204 = vector.extract_strided_slice %get3A_60 {offsets = [3], sizes = [1], strides = [1]} : vector<16xi32> to vector<1xi32>
        %squeeze3A_205 = vector.extract %slice3A_204[0] : i32 from vector<1xi32>
        %get3A_206 = arith.index_cast %squeeze3A_205 : i32 to index
        %get3A_207 = arith.constant 0 : index
        %get3A_208 = tpu.vector_load %arg6[%get3A_206, %get3A_207] {strides = array<i32>} : memref<200x16xf32, #tpu.memory_space<vmem>>, vector<16xf32>,
        %mul3A_209 = arith.mulf %get3A_108, %mul3A_44 : vector<16xf32>
        %add3A_210 = arith.addf %mul3A_209, %get3A_208 : vector<16xf32>
        %slice3A_211 = vector.extract_strided_slice %get3A_65 {offsets = [3], sizes = [1], strides = [1]} : vector<16xi32> to vector<1xi32>
        %squeeze3A_212 = vector.extract %slice3A_211[0] : i32 from vector<1xi32>
        %get3A_213 = arith.index_cast %squeeze3A_212 : i32 to index
        %get3A_214 = arith.constant 0 : index
        %get3A_215 = tpu.vector_load %arg6[%get3A_213, %get3A_214] {strides = array<i32>} : memref<200x16xf32, #tpu.memory_space<vmem>>, vector<16xf32>,
        %mul3A_216 = arith.mulf %get3A_113, %mul3A_44 : vector<16xf32>
        %add3A_217 = arith.addf %mul3A_216, %get3A_215 : vector<16xf32>
        %slice3A_218 = vector.extract_strided_slice %get3A_70 {offsets = [3], sizes = [1], strides = [1]} : vector<16xi32> to vector<1xi32>
        %squeeze3A_219 = vector.extract %slice3A_218[0] : i32 from vector<1xi32>
        %get3A_220 = arith.index_cast %squeeze3A_219 : i32 to index
        %get3A_221 = arith.constant 0 : index
        %get3A_222 = tpu.vector_load %arg6[%get3A_220, %get3A_221] {strides = array<i32>} : memref<200x16xf32, #tpu.memory_space<vmem>>, vector<16xf32>,
        %mul3A_223 = arith.mulf %get3A_118, %mul3A_44 : vector<16xf32>
        %add3A_224 = arith.addf %mul3A_223, %get3A_222 : vector<16xf32>
        %slice3A_225 = vector.extract_strided_slice %get3A_75 {offsets = [3], sizes = [1], strides = [1]} : vector<16xi32> to vector<1xi32>
        %squeeze3A_226 = vector.extract %slice3A_225[0] : i32 from vector<1xi32>
        %get3A_227 = arith.index_cast %squeeze3A_226 : i32 to index
        %get3A_228 = arith.constant 0 : index
        %get3A_229 = tpu.vector_load %arg6[%get3A_227, %get3A_228] {strides = array<i32>} : memref<200x16xf32, #tpu.memory_space<vmem>>, vector<16xf32>,
        %mul3A_230 = arith.mulf %get3A_123, %mul3A_44 : vector<16xf32>
        %add3A_231 = arith.addf %mul3A_230, %get3A_229 : vector<16xf32>
        %slice3A_232 = vector.extract_strided_slice %get3A_80 {offsets = [3], sizes = [1], strides = [1]} : vector<16xi32> to vector<1xi32>
        %squeeze3A_233 = vector.extract %slice3A_232[0] : i32 from vector<1xi32>
        %get3A_234 = arith.index_cast %squeeze3A_233 : i32 to index
        %get3A_235 = arith.constant 0 : index
        %get3A_236 = tpu.vector_load %arg6[%get3A_234, %get3A_235] {strides = array<i32>} : memref<200x16xf32, #tpu.memory_space<vmem>>, vector<16xf32>,
        %mul3A_237 = arith.mulf %get3A_128, %mul3A_44 : vector<16xf32>
        %add3A_238 = arith.addf %mul3A_237, %get3A_236 : vector<16xf32>
        %slice3A_239 = vector.extract_strided_slice %get3A_85 {offsets = [3], sizes = [1], strides = [1]} : vector<16xi32> to vector<1xi32>
        %squeeze3A_240 = vector.extract %slice3A_239[0] : i32 from vector<1xi32>
        %get3A_241 = arith.index_cast %squeeze3A_240 : i32 to index
        %get3A_242 = arith.constant 0 : index
        %get3A_243 = tpu.vector_load %arg6[%get3A_241, %get3A_242] {strides = array<i32>} : memref<200x16xf32, #tpu.memory_space<vmem>>, vector<16xf32>,
        %mul3A_244 = arith.mulf %get3A_133, %mul3A_44 : vector<16xf32>
        %add3A_245 = arith.addf %mul3A_244, %get3A_243 : vector<16xf32>
        %slice3A_246 = vector.extract_strided_slice %get3A_90 {offsets = [3], sizes = [1], strides = [1]} : vector<16xi32> to vector<1xi32>
        %squeeze3A_247 = vector.extract %slice3A_246[0] : i32 from vector<1xi32>
        %get3A_248 = arith.index_cast %squeeze3A_247 : i32 to index
        %get3A_249 = arith.constant 0 : index
        %get3A_250 = tpu.vector_load %arg6[%get3A_248, %get3A_249] {strides = array<i32>} : memref<200x16xf32, #tpu.memory_space<vmem>>, vector<16xf32>,
        %mul3A_251 = arith.mulf %get3A_138, %mul3A_44 : vector<16xf32>
        %add3A_252 = arith.addf %mul3A_251, %get3A_250 : vector<16xf32>
        %slice3A_253 = vector.extract_strided_slice %get3A_95 {offsets = [3], sizes = [1], strides = [1]} : vector<16xi32> to vector<1xi32>
        %squeeze3A_254 = vector.extract %slice3A_253[0] : i32 from vector<1xi32>
        %get3A_255 = arith.index_cast %squeeze3A_254 : i32 to index
        %get3A_256 = arith.constant 0 : index
        %get3A_257 = tpu.vector_load %arg6[%get3A_255, %get3A_256] {strides = array<i32>} : memref<200x16xf32, #tpu.memory_space<vmem>>, vector<16xf32>,
        %mul3A_258 = arith.mulf %get3A_143, %mul3A_44 : vector<16xf32>
        %add3A_259 = arith.addf %mul3A_258, %get3A_257 : vector<16xf32>
        %slice3A_260 = vector.extract_strided_slice %get3A_100 {offsets = [3], sizes = [1], strides = [1]} : vector<16xi32> to vector<1xi32>
        %squeeze3A_261 = vector.extract %slice3A_260[0] : i32 from vector<1xi32>
        %get3A_262 = arith.index_cast %squeeze3A_261 : i32 to index
        %get3A_263 = arith.constant 0 : index
        %get3A_264 = tpu.vector_load %arg6[%get3A_262, %get3A_263] {strides = array<i32>} : memref<200x16xf32, #tpu.memory_space<vmem>>, vector<16xf32>,
        %mul3A_265 = arith.mulf %get3A_148, %mul3A_44 : vector<16xf32>
        %add3A_266 = arith.addf %mul3A_265, %get3A_264 : vector<16xf32>
        %slice3A_267 = vector.extract_strided_slice %get3A_105 {offsets = [3], sizes = [1], strides = [1]} : vector<16xi32> to vector<1xi32>
        %squeeze3A_268 = vector.extract %slice3A_267[0] : i32 from vector<1xi32>
        %get3A_269 = arith.index_cast %squeeze3A_268 : i32 to index
        %get3A_270 = arith.constant 0 : index
        %get3A_271 = tpu.vector_load %arg6[%get3A_269, %get3A_270] {strides = array<i32>} : memref<200x16xf32, #tpu.memory_space<vmem>>, vector<16xf32>,
        %mul3A_272 = arith.mulf %get3A_153, %mul3A_44 : vector<16xf32>
        %add3A_273 = arith.addf %mul3A_272, %get3A_271 : vector<16xf32>
        %slice3A_274 = vector.extract_strided_slice %get3A_60 {offsets = [1], sizes = [1], strides = [1]} : vector<16xi32> to vector<1xi32>
        %squeeze3A_275 = vector.extract %slice3A_274[0] : i32 from vector<1xi32>
        %get3A_276 = arith.index_cast %squeeze3A_275 : i32 to index
        %get3A_277 = arith.constant 0 : index
        %get3A_278 = tpu.vector_load %arg6[%get3A_276, %get3A_277] {strides = array<i32>} : memref<200x16xf32, #tpu.memory_space<vmem>>, vector<16xf32>,
        %mul3A_279 = arith.mulf %get3A_158, %mul3A_44 : vector<16xf32>
        %add3A_280 = arith.addf %mul3A_279, %get3A_278 : vector<16xf32>
        %slice3A_281 = vector.extract_strided_slice %get3A_65 {offsets = [1], sizes = [1], strides = [1]} : vector<16xi32> to vector<1xi32>
        %squeeze3A_282 = vector.extract %slice3A_281[0] : i32 from vector<1xi32>
        %get3A_283 = arith.index_cast %squeeze3A_282 : i32 to index
        %get3A_284 = arith.constant 0 : index
        %get3A_285 = tpu.vector_load %arg6[%get3A_283, %get3A_284] {strides = array<i32>} : memref<200x16xf32, #tpu.memory_space<vmem>>, vector<16xf32>,
        %mul3A_286 = arith.mulf %get3A_163, %mul3A_44 : vector<16xf32>
        %add3A_287 = arith.addf %mul3A_286, %get3A_285 : vector<16xf32>
        %slice3A_288 = vector.extract_strided_slice %get3A_70 {offsets = [1], sizes = [1], strides = [1]} : vector<16xi32> to vector<1xi32>
        %squeeze3A_289 = vector.extract %slice3A_288[0] : i32 from vector<1xi32>
        %get3A_290 = arith.index_cast %squeeze3A_289 : i32 to index
        %get3A_291 = arith.constant 0 : index
        %get3A_292 = tpu.vector_load %arg6[%get3A_290, %get3A_291] {strides = array<i32>} : memref<200x16xf32, #tpu.memory_space<vmem>>, vector<16xf32>,
        %mul3A_293 = arith.mulf %get3A_168, %mul3A_44 : vector<16xf32>
        %add3A_294 = arith.addf %mul3A_293, %get3A_292 : vector<16xf32>
        %slice3A_295 = vector.extract_strided_slice %get3A_75 {offsets = [1], sizes = [1], strides = [1]} : vector<16xi32> to vector<1xi32>
        %squeeze3A_296 = vector.extract %slice3A_295[0] : i32 from vector<1xi32>
        %get3A_297 = arith.index_cast %squeeze3A_296 : i32 to index
        %get3A_298 = arith.constant 0 : index
        %get3A_299 = tpu.vector_load %arg6[%get3A_297, %get3A_298] {strides = array<i32>} : memref<200x16xf32, #tpu.memory_space<vmem>>, vector<16xf32>,
        %mul3A_300 = arith.mulf %get3A_173, %mul3A_44 : vector<16xf32>
        %add3A_301 = arith.addf %mul3A_300, %get3A_299 : vector<16xf32>
        %slice3A_302 = vector.extract_strided_slice %get3A_80 {offsets = [1], sizes = [1], strides = [1]} : vector<16xi32> to vector<1xi32>
        %squeeze3A_303 = vector.extract %slice3A_302[0] : i32 from vector<1xi32>
        %get3A_304 = arith.index_cast %squeeze3A_303 : i32 to index
        %get3A_305 = arith.constant 0 : index
        %get3A_306 = tpu.vector_load %arg6[%get3A_304, %get3A_305] {strides = array<i32>} : memref<200x16xf32, #tpu.memory_space<vmem>>, vector<16xf32>,
        %mul3A_307 = arith.mulf %get3A_178, %mul3A_44 : vector<16xf32>
        %add3A_308 = arith.addf %mul3A_307, %get3A_306 : vector<16xf32>
        %slice3A_309 = vector.extract_strided_slice %get3A_85 {offsets = [1], sizes = [1], strides = [1]} : vector<16xi32> to vector<1xi32>
        %squeeze3A_310 = vector.extract %slice3A_309[0] : i32 from vector<1xi32>
        %get3A_311 = arith.index_cast %squeeze3A_310 : i32 to index
        %get3A_312 = arith.constant 0 : index
        %get3A_313 = tpu.vector_load %arg6[%get3A_311, %get3A_312] {strides = array<i32>} : memref<200x16xf32, #tpu.memory_space<vmem>>, vector<16xf32>,
        %mul3A_314 = arith.mulf %get3A_183, %mul3A_44 : vector<16xf32>
        %add3A_315 = arith.addf %mul3A_314, %get3A_313 : vector<16xf32>
        %slice3A_316 = vector.extract_strided_slice %get3A_90 {offsets = [1], sizes = [1], strides = [1]} : vector<16xi32> to vector<1xi32>
        %squeeze3A_317 = vector.extract %slice3A_316[0] : i32 from vector<1xi32>
        %get3A_318 = arith.index_cast %squeeze3A_317 : i32 to index
        %get3A_319 = arith.constant 0 : index
        %get3A_320 = tpu.vector_load %arg6[%get3A_318, %get3A_319] {strides = array<i32>} : memref<200x16xf32, #tpu.memory_space<vmem>>, vector<16xf32>,
        %mul3A_321 = arith.mulf %get3A_188, %mul3A_44 : vector<16xf32>
        %add3A_322 = arith.addf %mul3A_321, %get3A_320 : vector<16xf32>
        %slice3A_323 = vector.extract_strided_slice %get3A_95 {offsets = [1], sizes = [1], strides = [1]} : vector<16xi32> to vector<1xi32>
        %squeeze3A_324 = vector.extract %slice3A_323[0] : i32 from vector<1xi32>
        %get3A_325 = arith.index_cast %squeeze3A_324 : i32 to index
        %get3A_326 = arith.constant 0 : index
        %get3A_327 = tpu.vector_load %arg6[%get3A_325, %get3A_326] {strides = array<i32>} : memref<200x16xf32, #tpu.memory_space<vmem>>, vector<16xf32>,
        %mul3A_328 = arith.mulf %get3A_193, %mul3A_44 : vector<16xf32>
        %add3A_329 = arith.addf %mul3A_328, %get3A_327 : vector<16xf32>
        %slice3A_330 = vector.extract_strided_slice %get3A_100 {offsets = [1], sizes = [1], strides = [1]} : vector<16xi32> to vector<1xi32>
        %squeeze3A_331 = vector.extract %slice3A_330[0] : i32 from vector<1xi32>
        %get3A_332 = arith.index_cast %squeeze3A_331 : i32 to index
        %get3A_333 = arith.constant 0 : index
        %get3A_334 = tpu.vector_load %arg6[%get3A_332, %get3A_333] {strides = array<i32>} : memref<200x16xf32, #tpu.memory_space<vmem>>, vector<16xf32>,
        %mul3A_335 = arith.mulf %get3A_198, %mul3A_44 : vector<16xf32>
        %add3A_336 = arith.addf %mul3A_335, %get3A_334 : vector<16xf32>
        %slice3A_337 = vector.extract_strided_slice %get3A_105 {offsets = [1], sizes = [1], strides = [1]} : vector<16xi32> to vector<1xi32>
        %squeeze3A_338 = vector.extract %slice3A_337[0] : i32 from vector<1xi32>
        %get3A_339 = arith.index_cast %squeeze3A_338 : i32 to index
        %get3A_340 = arith.constant 0 : index
        %get3A_341 = tpu.vector_load %arg6[%get3A_339, %get3A_340] {strides = array<i32>} : memref<200x16xf32, #tpu.memory_space<vmem>>, vector<16xf32>,
        %mul3A_342 = arith.mulf %get3A_203, %mul3A_44 : vector<16xf32>
        %add3A_343 = arith.addf %mul3A_342, %get3A_341 : vector<16xf32>
        %mul3A_344 = arith.mulf %div3A_19, %add3A_210 : vector<16xf32>
        %add3A_345 = arith.addf %add3A_280, %mul3A_344 : vector<16xf32>
        %add3A_346 = arith.constant 0 : i32
        %add3A_347 = arith.addi %mul3A_55, %add3A_346 : i32
        %swap3A = arith.index_cast %add3A_347 : i32 to index
        %swap3A_348 = arith.constant 0 : index
        %swap3A_349 = tpu.vector_load %arg10[%swap3A, %swap3A_348] {strides = array<i32>} : memref<200x16xf32, #tpu.memory_space<vmem>>, vector<16xf32>,
        tpu.vector_store %arg10[%swap3A, %swap3A_348], %add3A_345 {strides = array<i32>} : memref<200x16xf32, #tpu.memory_space<vmem>>, vector<16xf32>,
        %add3A_350 = arith.addf %scan3A_53, %add3A_345 : vector<16xf32>
        %mul3A_351 = arith.mulf %div3A_19, %add3A_217 : vector<16xf32>
        %add3A_352 = arith.addf %add3A_287, %mul3A_351 : vector<16xf32>
        %add3A_353 = arith.constant 1 : i32
        %add3A_354 = arith.addi %mul3A_55, %add3A_353 : i32
        %swap3A_355 = arith.index_cast %add3A_354 : i32 to index
        %swap3A_356 = arith.constant 0 : index
        %swap3A_357 = tpu.vector_load %arg10[%swap3A_355, %swap3A_356] {strides = array<i32>} : memref<200x16xf32, #tpu.memory_space<vmem>>, vector<16xf32>,
        tpu.vector_store %arg10[%swap3A_355, %swap3A_356], %add3A_352 {strides = array<i32>} : memref<200x16xf32, #tpu.memory_space<vmem>>, vector<16xf32>,
        %add3A_358 = arith.addf %add3A_350, %add3A_352 : vector<16xf32>
        %mul3A_359 = arith.mulf %div3A_19, %add3A_224 : vector<16xf32>
        %add3A_360 = arith.addf %add3A_294, %mul3A_359 : vector<16xf32>
        %add3A_361 = arith.constant 2 : i32
        %add3A_362 = arith.addi %mul3A_55, %add3A_361 : i32
        %swap3A_363 = arith.index_cast %add3A_362 : i32 to index
        %swap3A_364 = arith.constant 0 : index
        %swap3A_365 = tpu.vector_load %arg10[%swap3A_363, %swap3A_364] {strides = array<i32>} : memref<200x16xf32, #tpu.memory_space<vmem>>, vector<16xf32>,
        tpu.vector_store %arg10[%swap3A_363, %swap3A_364], %add3A_360 {strides = array<i32>} : memref<200x16xf32, #tpu.memory_space<vmem>>, vector<16xf32>,
        %add3A_366 = arith.addf %add3A_358, %add3A_360 : vector<16xf32>
        %mul3A_367 = arith.mulf %div3A_19, %add3A_231 : vector<16xf32>
        %add3A_368 = arith.addf %add3A_301, %mul3A_367 : vector<16xf32>
        %add3A_369 = arith.constant 3 : i32
        %add3A_370 = arith.addi %mul3A_55, %add3A_369 : i32
        %swap3A_371 = arith.index_cast %add3A_370 : i32 to index
        %swap3A_372 = arith.constant 0 : index
        %swap3A_373 = tpu.vector_load %arg10[%swap3A_371, %swap3A_372] {strides = array<i32>} : memref<200x16xf32, #tpu.memory_space<vmem>>, vector<16xf32>,
        tpu.vector_store %arg10[%swap3A_371, %swap3A_372], %add3A_368 {strides = array<i32>} : memref<200x16xf32, #tpu.memory_space<vmem>>, vector<16xf32>,
        %add3A_374 = arith.addf %add3A_366, %add3A_368 : vector<16xf32>
        %mul3A_375 = arith.mulf %div3A_19, %add3A_238 : vector<16xf32>
        %add3A_376 = arith.addf %add3A_308, %mul3A_375 : vector<16xf32>
        %add3A_377 = arith.constant 4 : i32
        %add3A_378 = arith.addi %mul3A_55, %add3A_377 : i32
        %swap3A_379 = arith.index_cast %add3A_378 : i32 to index
        %swap3A_380 = arith.constant 0 : index
        %swap3A_381 = tpu.vector_load %arg10[%swap3A_379, %swap3A_380] {strides = array<i32>} : memref<200x16xf32, #tpu.memory_space<vmem>>, vector<16xf32>,
        tpu.vector_store %arg10[%swap3A_379, %swap3A_380], %add3A_376 {strides = array<i32>} : memref<200x16xf32, #tpu.memory_space<vmem>>, vector<16xf32>,
        %add3A_382 = arith.addf %add3A_374, %add3A_376 : vector<16xf32>
        %mul3A_383 = arith.mulf %div3A_19, %add3A_245 : vector<16xf32>
        %add3A_384 = arith.addf %add3A_315, %mul3A_383 : vector<16xf32>
        %add3A_385 = arith.constant 5 : i32
        %add3A_386 = arith.addi %mul3A_55, %add3A_385 : i32
        %swap3A_387 = arith.index_cast %add3A_386 : i32 to index
        %swap3A_388 = arith.constant 0 : index
        %swap3A_389 = tpu.vector_load %arg10[%swap3A_387, %swap3A_388] {strides = array<i32>} : memref<200x16xf32, #tpu.memory_space<vmem>>, vector<16xf32>,
        tpu.vector_store %arg10[%swap3A_387, %swap3A_388], %add3A_384 {strides = array<i32>} : memref<200x16xf32, #tpu.memory_space<vmem>>, vector<16xf32>,
        %add3A_390 = arith.addf %add3A_382, %add3A_384 : vector<16xf32>
        %mul3A_391 = arith.mulf %div3A_19, %add3A_252 : vector<16xf32>
        %add3A_392 = arith.addf %add3A_322, %mul3A_391 : vector<16xf32>
        %add3A_393 = arith.constant 6 : i32
        %add3A_394 = arith.addi %mul3A_55, %add3A_393 : i32
        %swap3A_395 = arith.index_cast %add3A_394 : i32 to index
        %swap3A_396 = arith.constant 0 : index
        %swap3A_397 = tpu.vector_load %arg10[%swap3A_395, %swap3A_396] {strides = array<i32>} : memref<200x16xf32, #tpu.memory_space<vmem>>, vector<16xf32>,
        tpu.vector_store %arg10[%swap3A_395, %swap3A_396], %add3A_392 {strides = array<i32>} : memref<200x16xf32, #tpu.memory_space<vmem>>, vector<16xf32>,
        %add3A_398 = arith.addf %add3A_390, %add3A_392 : vector<16xf32>
        %mul3A_399 = arith.mulf %div3A_19, %add3A_259 : vector<16xf32>
        %add3A_400 = arith.addf %add3A_329, %mul3A_399 : vector<16xf32>
        %add3A_401 = arith.constant 7 : i32
        %add3A_402 = arith.addi %mul3A_55, %add3A_401 : i32
        %swap3A_403 = arith.index_cast %add3A_402 : i32 to index
        %swap3A_404 = arith.constant 0 : index
        %swap3A_405 = tpu.vector_load %arg10[%swap3A_403, %swap3A_404] {strides = array<i32>} : memref<200x16xf32, #tpu.memory_space<vmem>>, vector<16xf32>,
        tpu.vector_store %arg10[%swap3A_403, %swap3A_404], %add3A_400 {strides = array<i32>} : memref<200x16xf32, #tpu.memory_space<vmem>>, vector<16xf32>,
        %add3A_406 = arith.addf %add3A_398, %add3A_400 : vector<16xf32>
        %mul3A_407 = arith.mulf %div3A_19, %add3A_266 : vector<16xf32>
        %add3A_408 = arith.addf %add3A_336, %mul3A_407 : vector<16xf32>
        %add3A_409 = arith.constant 8 : i32
        %add3A_410 = arith.addi %mul3A_55, %add3A_409 : i32
        %swap3A_411 = arith.index_cast %add3A_410 : i32 to index
        %swap3A_412 = arith.constant 0 : index
        %swap3A_413 = tpu.vector_load %arg10[%swap3A_411, %swap3A_412] {strides = array<i32>} : memref<200x16xf32, #tpu.memory_space<vmem>>, vector<16xf32>,
        tpu.vector_store %arg10[%swap3A_411, %swap3A_412], %add3A_408 {strides = array<i32>} : memref<200x16xf32, #tpu.memory_space<vmem>>, vector<16xf32>,
        %add3A_414 = arith.addf %add3A_406, %add3A_408 : vector<16xf32>
        %mul3A_415 = arith.mulf %div3A_19, %add3A_273 : vector<16xf32>
        %add3A_416 = arith.addf %add3A_343, %mul3A_415 : vector<16xf32>
        %add3A_417 = arith.constant 9 : i32
        %add3A_418 = arith.addi %mul3A_55, %add3A_417 : i32
        %swap3A_419 = arith.index_cast %add3A_418 : i32 to index
        %swap3A_420 = arith.constant 0 : index
        %swap3A_421 = tpu.vector_load %arg10[%swap3A_419, %swap3A_420] {strides = array<i32>} : memref<200x16xf32, #tpu.memory_space<vmem>>, vector<16xf32>,
        tpu.vector_store %arg10[%swap3A_419, %swap3A_420], %add3A_416 {strides = array<i32>} : memref<200x16xf32, #tpu.memory_space<vmem>>, vector<16xf32>,
        %add3A_422 = arith.addf %add3A_414, %add3A_416 : vector<16xf32>
        scf.yield %add3A_422 : vector<16xf32>
      }
      %scan3A_51 = arith.constant 20 : i32
      scf.yield %scan3A_50 : vector<16xf32>
    } else {
      "tpu.region"() ({
        %run_scoped3A = tpu.sem_alloc : memref<!tpu.dma_semaphore, #tpu.memory_space<semaphore_mem>>
        tpu.enqueue_dma source(%arg4 : memref<200x100xi32, #tpu.memory_space<hbm>>) target(%arg8 : memref<200x100xi32, #tpu.memory_space<vmem>>) target_semaphore(%run_scoped3A : memref<!tpu.dma_semaphore, #tpu.memory_space<semaphore_mem>>)
        tpu.wait_dma2 semaphore(%run_scoped3A : memref<!tpu.dma_semaphore, #tpu.memory_space<semaphore_mem>>) src(%arg4 : memref<200x100xi32, #tpu.memory_space<hbm>>) dst(%arg8 : memref<200x100xi32, #tpu.memory_space<vmem>>)
        tpu.yield
      }) : () -> ()
      %broadcast_in_dim3A = arith.constant 0.000000e+00 : f32
      %broadcast_in_dim3A_44 = vector.broadcast %broadcast_in_dim3A : f32 to vector<16xf32>
      %scan3A_45 = arith.constant 0 : i32
      %scan3A_46 = arith.constant 200 : i32
      %scan3A_47 = arith.addi %scan3A_45, %scan3A_46 : i32
      %scan3A_48 = arith.constant 1 : i32
      %scan3A_49 = scf.for %scan3A_51 = %scan3A_45 to %scan3A_47 step %scan3A_48 iter_args(%scan3A_52 = %broadcast_in_dim3A_44) -> (vector<16xf32>)  : i32 {
        %broadcast_in_dim3A_53 = vector.broadcast %scan3A_51 : i32 to vector<16xi32>
        %iota3A = tpu.iota {dimensions = array<i32: 0>} : vector<16xi32>
        %mul3A_54 = arith.constant 2 : i32
        %mul3A_55 = vector.broadcast %mul3A_54 : i32 to vector<16xi32>
        %mul3A_56 = arith.muli %iota3A, %mul3A_55 : vector<16xi32>
        %add3A_57 = arith.constant 1 : i32
        %add3A_58 = vector.broadcast %add3A_57 : i32 to vector<16xi32>
        %add3A_59 = arith.addi %mul3A_56, %add3A_58 : vector<16xi32>
        %gather3A = tpu.vector_load_idx %arg8[%broadcast_in_dim3A_53, %add3A_59] : memref<200x100xi32, #tpu.memory_space<vmem>>[vector<16xi32>, vector<16xi32>], vector<16xi32>,
        %iota3A_60 = tpu.iota {dimensions = array<i32: 0>} : vector<16xi32>
        %mul3A_61 = arith.constant 2 : i32
        %mul3A_62 = vector.broadcast %mul3A_61 : i32 to vector<16xi32>
        %mul3A_63 = arith.muli %iota3A_60, %mul3A_62 : vector<16xi32>
        %add3A_64 = arith.constant 33 : i32
        %add3A_65 = vector.broadcast %add3A_64 : i32 to vector<16xi32>
        %add3A_66 = arith.addi %mul3A_63, %add3A_65 : vector<16xi32>
        %gather3A_67 = tpu.vector_load_idx %arg8[%broadcast_in_dim3A_53, %add3A_66] : memref<200x100xi32, #tpu.memory_space<vmem>>[vector<16xi32>, vector<16xi32>], vector<16xi32>,
        %iota3A_68 = tpu.iota {dimensions = array<i32: 0>} : vector<16xi32>
        %mul3A_69 = arith.constant 2 : i32
        %mul3A_70 = vector.broadcast %mul3A_69 : i32 to vector<16xi32>
        %mul3A_71 = arith.muli %iota3A_68, %mul3A_70 : vector<16xi32>
        %add3A_72 = arith.constant 65 : i32
        %add3A_73 = vector.broadcast %add3A_72 : i32 to vector<16xi32>
        %add3A_74 = arith.addi %mul3A_71, %add3A_73 : vector<16xi32>
        %gather3A_75 = tpu.vector_load_idx %arg8[%broadcast_in_dim3A_53, %add3A_74] : memref<200x100xi32, #tpu.memory_space<vmem>>[vector<16xi32>, vector<16xi32>], vector<16xi32>,
        %iota3A_76 = tpu.iota {dimensions = array<i32: 0>} : vector<16xi32>
        %mul3A_77 = arith.constant 2 : i32
        %mul3A_78 = vector.broadcast %mul3A_77 : i32 to vector<16xi32>
        %mul3A_79 = arith.muli %iota3A_76, %mul3A_78 : vector<16xi32>
        %add3A_80 = arith.constant 97 : i32
        %add3A_81 = vector.broadcast %add3A_80 : i32 to vector<16xi32>
        %add3A_82 = arith.addi %mul3A_79, %add3A_81 : vector<16xi32>
        %gather3A_83 = tpu.vector_load_idx %arg8[%broadcast_in_dim3A_53, %add3A_82] : memref<200x100xi32, #tpu.memory_space<vmem>>[vector<16xi32>, vector<16xi32>], vector<16xi32>,
        %slice3A = vector.extract_strided_slice %gather3A_83 {offsets = [1], sizes = [1], strides = [1]} : vector<16xi32> to vector<1xi32>
        %squeeze3A = vector.extract %slice3A[0] : i32 from vector<1xi32>
        %get3A_84 = arith.index_cast %squeeze3A : i32 to index
        %get3A_85 = arith.constant 0 : index
        %get3A_86 = tpu.vector_load %arg6[%get3A_84, %get3A_85] {strides = array<i32>} : memref<200x16xf32, #tpu.memory_space<vmem>>, vector<16xf32>,
        %slice3A_87 = vector.extract_strided_slice %gather3A_83 {offsets = [0], sizes = [1], strides = [1]} : vector<16xi32> to vector<1xi32>
        %squeeze3A_88 = vector.extract %slice3A_87[0] : i32 from vector<1xi32>
        %get3A_89 = arith.index_cast %squeeze3A_88 : i32 to index
        %get3A_90 = arith.constant 0 : index
        %get3A_91 = tpu.vector_load %arg6[%get3A_89, %get3A_90] {strides = array<i32>} : memref<200x16xf32, #tpu.memory_space<vmem>>, vector<16xf32>,
        %mul3A_92 = arith.mulf %get3A_86, %div3A_19 : vector<16xf32>
        %add3A_93 = arith.addf %mul3A_92, %get3A_91 : vector<16xf32>
        %slice3A_94 = vector.extract_strided_slice %gather3A_75 {offsets = [15], sizes = [1], strides = [1]} : vector<16xi32> to vector<1xi32>
        %squeeze3A_95 = vector.extract %slice3A_94[0] : i32 from vector<1xi32>
        %get3A_96 = arith.index_cast %squeeze3A_95 : i32 to index
        %get3A_97 = arith.constant 0 : index
        %get3A_98 = tpu.vector_load %arg6[%get3A_96, %get3A_97] {strides = array<i32>} : memref<200x16xf32, #tpu.memory_space<vmem>>, vector<16xf32>,
        %mul3A_99 = arith.mulf %add3A_93, %div3A_19 : vector<16xf32>
        %add3A_100 = arith.addf %mul3A_99, %get3A_98 : vector<16xf32>
        %slice3A_101 = vector.extract_strided_slice %gather3A_75 {offsets = [14], sizes = [1], strides = [1]} : vector<16xi32> to vector<1xi32>
        %squeeze3A_102 = vector.extract %slice3A_101[0] : i32 from vector<1xi32>
        %get3A_103 = arith.index_cast %squeeze3A_102 : i32 to index
        %get3A_104 = arith.constant 0 : index
        %get3A_105 = tpu.vector_load %arg6[%get3A_103, %get3A_104] {strides = array<i32>} : memref<200x16xf32, #tpu.memory_space<vmem>>, vector<16xf32>,
        %mul3A_106 = arith.mulf %add3A_100, %div3A_19 : vector<16xf32>
        %add3A_107 = arith.addf %mul3A_106, %get3A_105 : vector<16xf32>
        %slice3A_108 = vector.extract_strided_slice %gather3A_75 {offsets = [13], sizes = [1], strides = [1]} : vector<16xi32> to vector<1xi32>
        %squeeze3A_109 = vector.extract %slice3A_108[0] : i32 from vector<1xi32>
        %get3A_110 = arith.index_cast %squeeze3A_109 : i32 to index
        %get3A_111 = arith.constant 0 : index
        %get3A_112 = tpu.vector_load %arg6[%get3A_110, %get3A_111] {strides = array<i32>} : memref<200x16xf32, #tpu.memory_space<vmem>>, vector<16xf32>,
        %mul3A_113 = arith.mulf %add3A_107, %div3A_19 : vector<16xf32>
        %add3A_114 = arith.addf %mul3A_113, %get3A_112 : vector<16xf32>
        %slice3A_115 = vector.extract_strided_slice %gather3A_75 {offsets = [12], sizes = [1], strides = [1]} : vector<16xi32> to vector<1xi32>
        %squeeze3A_116 = vector.extract %slice3A_115[0] : i32 from vector<1xi32>
        %get3A_117 = arith.index_cast %squeeze3A_116 : i32 to index
        %get3A_118 = arith.constant 0 : index
        %get3A_119 = tpu.vector_load %arg6[%get3A_117, %get3A_118] {strides = array<i32>} : memref<200x16xf32, #tpu.memory_space<vmem>>, vector<16xf32>,
        %mul3A_120 = arith.mulf %add3A_114, %div3A_19 : vector<16xf32>
        %add3A_121 = arith.addf %mul3A_120, %get3A_119 : vector<16xf32>
        %slice3A_122 = vector.extract_strided_slice %gather3A_75 {offsets = [11], sizes = [1], strides = [1]} : vector<16xi32> to vector<1xi32>
        %squeeze3A_123 = vector.extract %slice3A_122[0] : i32 from vector<1xi32>
        %get3A_124 = arith.index_cast %squeeze3A_123 : i32 to index
        %get3A_125 = arith.constant 0 : index
        %get3A_126 = tpu.vector_load %arg6[%get3A_124, %get3A_125] {strides = array<i32>} : memref<200x16xf32, #tpu.memory_space<vmem>>, vector<16xf32>,
        %mul3A_127 = arith.mulf %add3A_121, %div3A_19 : vector<16xf32>
        %add3A_128 = arith.addf %mul3A_127, %get3A_126 : vector<16xf32>
        %slice3A_129 = vector.extract_strided_slice %gather3A_75 {offsets = [10], sizes = [1], strides = [1]} : vector<16xi32> to vector<1xi32>
        %squeeze3A_130 = vector.extract %slice3A_129[0] : i32 from vector<1xi32>
        %get3A_131 = arith.index_cast %squeeze3A_130 : i32 to index
        %get3A_132 = arith.constant 0 : index
        %get3A_133 = tpu.vector_load %arg6[%get3A_131, %get3A_132] {strides = array<i32>} : memref<200x16xf32, #tpu.memory_space<vmem>>, vector<16xf32>,
        %mul3A_134 = arith.mulf %add3A_128, %div3A_19 : vector<16xf32>
        %add3A_135 = arith.addf %mul3A_134, %get3A_133 : vector<16xf32>
        %slice3A_136 = vector.extract_strided_slice %gather3A_75 {offsets = [9], sizes = [1], strides = [1]} : vector<16xi32> to vector<1xi32>
        %squeeze3A_137 = vector.extract %slice3A_136[0] : i32 from vector<1xi32>
        %get3A_138 = arith.index_cast %squeeze3A_137 : i32 to index
        %get3A_139 = arith.constant 0 : index
        %get3A_140 = tpu.vector_load %arg6[%get3A_138, %get3A_139] {strides = array<i32>} : memref<200x16xf32, #tpu.memory_space<vmem>>, vector<16xf32>,
        %mul3A_141 = arith.mulf %add3A_135, %div3A_19 : vector<16xf32>
        %add3A_142 = arith.addf %mul3A_141, %get3A_140 : vector<16xf32>
        %slice3A_143 = vector.extract_strided_slice %gather3A_75 {offsets = [8], sizes = [1], strides = [1]} : vector<16xi32> to vector<1xi32>
        %squeeze3A_144 = vector.extract %slice3A_143[0] : i32 from vector<1xi32>
        %get3A_145 = arith.index_cast %squeeze3A_144 : i32 to index
        %get3A_146 = arith.constant 0 : index
        %get3A_147 = tpu.vector_load %arg6[%get3A_145, %get3A_146] {strides = array<i32>} : memref<200x16xf32, #tpu.memory_space<vmem>>, vector<16xf32>,
        %mul3A_148 = arith.mulf %add3A_142, %div3A_19 : vector<16xf32>
        %add3A_149 = arith.addf %mul3A_148, %get3A_147 : vector<16xf32>
        %slice3A_150 = vector.extract_strided_slice %gather3A_75 {offsets = [7], sizes = [1], strides = [1]} : vector<16xi32> to vector<1xi32>
        %squeeze3A_151 = vector.extract %slice3A_150[0] : i32 from vector<1xi32>
        %get3A_152 = arith.index_cast %squeeze3A_151 : i32 to index
        %get3A_153 = arith.constant 0 : index
        %get3A_154 = tpu.vector_load %arg6[%get3A_152, %get3A_153] {strides = array<i32>} : memref<200x16xf32, #tpu.memory_space<vmem>>, vector<16xf32>,
        %mul3A_155 = arith.mulf %add3A_149, %div3A_19 : vector<16xf32>
        %add3A_156 = arith.addf %mul3A_155, %get3A_154 : vector<16xf32>
        %slice3A_157 = vector.extract_strided_slice %gather3A_75 {offsets = [6], sizes = [1], strides = [1]} : vector<16xi32> to vector<1xi32>
        %squeeze3A_158 = vector.extract %slice3A_157[0] : i32 from vector<1xi32>
        %get3A_159 = arith.index_cast %squeeze3A_158 : i32 to index
        %get3A_160 = arith.constant 0 : index
        %get3A_161 = tpu.vector_load %arg6[%get3A_159, %get3A_160] {strides = array<i32>} : memref<200x16xf32, #tpu.memory_space<vmem>>, vector<16xf32>,
        %mul3A_162 = arith.mulf %add3A_156, %div3A_19 : vector<16xf32>
        %add3A_163 = arith.addf %mul3A_162, %get3A_161 : vector<16xf32>
        %slice3A_164 = vector.extract_strided_slice %gather3A_75 {offsets = [5], sizes = [1], strides = [1]} : vector<16xi32> to vector<1xi32>
        %squeeze3A_165 = vector.extract %slice3A_164[0] : i32 from vector<1xi32>
        %get3A_166 = arith.index_cast %squeeze3A_165 : i32 to index
        %get3A_167 = arith.constant 0 : index
        %get3A_168 = tpu.vector_load %arg6[%get3A_166, %get3A_167] {strides = array<i32>} : memref<200x16xf32, #tpu.memory_space<vmem>>, vector<16xf32>,
        %mul3A_169 = arith.mulf %add3A_163, %div3A_19 : vector<16xf32>
        %add3A_170 = arith.addf %mul3A_169, %get3A_168 : vector<16xf32>
        %slice3A_171 = vector.extract_strided_slice %gather3A_75 {offsets = [4], sizes = [1], strides = [1]} : vector<16xi32> to vector<1xi32>
        %squeeze3A_172 = vector.extract %slice3A_171[0] : i32 from vector<1xi32>
        %get3A_173 = arith.index_cast %squeeze3A_172 : i32 to index
        %get3A_174 = arith.constant 0 : index
        %get3A_175 = tpu.vector_load %arg6[%get3A_173, %get3A_174] {strides = array<i32>} : memref<200x16xf32, #tpu.memory_space<vmem>>, vector<16xf32>,
        %mul3A_176 = arith.mulf %add3A_170, %div3A_19 : vector<16xf32>
        %add3A_177 = arith.addf %mul3A_176, %get3A_175 : vector<16xf32>
        %slice3A_178 = vector.extract_strided_slice %gather3A_75 {offsets = [3], sizes = [1], strides = [1]} : vector<16xi32> to vector<1xi32>
        %squeeze3A_179 = vector.extract %slice3A_178[0] : i32 from vector<1xi32>
        %get3A_180 = arith.index_cast %squeeze3A_179 : i32 to index
        %get3A_181 = arith.constant 0 : index
        %get3A_182 = tpu.vector_load %arg6[%get3A_180, %get3A_181] {strides = array<i32>} : memref<200x16xf32, #tpu.memory_space<vmem>>, vector<16xf32>,
        %mul3A_183 = arith.mulf %add3A_177, %div3A_19 : vector<16xf32>
        %add3A_184 = arith.addf %mul3A_183, %get3A_182 : vector<16xf32>
        %slice3A_185 = vector.extract_strided_slice %gather3A_75 {offsets = [2], sizes = [1], strides = [1]} : vector<16xi32> to vector<1xi32>
        %squeeze3A_186 = vector.extract %slice3A_185[0] : i32 from vector<1xi32>
        %get3A_187 = arith.index_cast %squeeze3A_186 : i32 to index
        %get3A_188 = arith.constant 0 : index
        %get3A_189 = tpu.vector_load %arg6[%get3A_187, %get3A_188] {strides = array<i32>} : memref<200x16xf32, #tpu.memory_space<vmem>>, vector<16xf32>,
        %mul3A_190 = arith.mulf %add3A_184, %div3A_19 : vector<16xf32>
        %add3A_191 = arith.addf %mul3A_190, %get3A_189 : vector<16xf32>
        %slice3A_192 = vector.extract_strided_slice %gather3A_75 {offsets = [1], sizes = [1], strides = [1]} : vector<16xi32> to vector<1xi32>
        %squeeze3A_193 = vector.extract %slice3A_192[0] : i32 from vector<1xi32>
        %get3A_194 = arith.index_cast %squeeze3A_193 : i32 to index
        %get3A_195 = arith.constant 0 : index
        %get3A_196 = tpu.vector_load %arg6[%get3A_194, %get3A_195] {strides = array<i32>} : memref<200x16xf32, #tpu.memory_space<vmem>>, vector<16xf32>,
        %mul3A_197 = arith.mulf %add3A_191, %div3A_19 : vector<16xf32>
        %add3A_198 = arith.addf %mul3A_197, %get3A_196 : vector<16xf32>
        %slice3A_199 = vector.extract_strided_slice %gather3A_75 {offsets = [0], sizes = [1], strides = [1]} : vector<16xi32> to vector<1xi32>
        %squeeze3A_200 = vector.extract %slice3A_199[0] : i32 from vector<1xi32>
        %get3A_201 = arith.index_cast %squeeze3A_200 : i32 to index
        %get3A_202 = arith.constant 0 : index
        %get3A_203 = tpu.vector_load %arg6[%get3A_201, %get3A_202] {strides = array<i32>} : memref<200x16xf32, #tpu.memory_space<vmem>>, vector<16xf32>,
        %mul3A_204 = arith.mulf %add3A_198, %div3A_19 : vector<16xf32>
        %add3A_205 = arith.addf %mul3A_204, %get3A_203 : vector<16xf32>
        %slice3A_206 = vector.extract_strided_slice %gather3A_67 {offsets = [15], sizes = [1], strides = [1]} : vector<16xi32> to vector<1xi32>
        %squeeze3A_207 = vector.extract %slice3A_206[0] : i32 from vector<1xi32>
        %get3A_208 = arith.index_cast %squeeze3A_207 : i32 to index
        %get3A_209 = arith.constant 0 : index
        %get3A_210 = tpu.vector_load %arg6[%get3A_208, %get3A_209] {strides = array<i32>} : memref<200x16xf32, #tpu.memory_space<vmem>>, vector<16xf32>,
        %mul3A_211 = arith.mulf %add3A_205, %div3A_19 : vector<16xf32>
        %add3A_212 = arith.addf %mul3A_211, %get3A_210 : vector<16xf32>
        %slice3A_213 = vector.extract_strided_slice %gather3A_67 {offsets = [14], sizes = [1], strides = [1]} : vector<16xi32> to vector<1xi32>
        %squeeze3A_214 = vector.extract %slice3A_213[0] : i32 from vector<1xi32>
        %get3A_215 = arith.index_cast %squeeze3A_214 : i32 to index
        %get3A_216 = arith.constant 0 : index
        %get3A_217 = tpu.vector_load %arg6[%get3A_215, %get3A_216] {strides = array<i32>} : memref<200x16xf32, #tpu.memory_space<vmem>>, vector<16xf32>,
        %mul3A_218 = arith.mulf %add3A_212, %div3A_19 : vector<16xf32>
        %add3A_219 = arith.addf %mul3A_218, %get3A_217 : vector<16xf32>
        %slice3A_220 = vector.extract_strided_slice %gather3A_67 {offsets = [13], sizes = [1], strides = [1]} : vector<16xi32> to vector<1xi32>
        %squeeze3A_221 = vector.extract %slice3A_220[0] : i32 from vector<1xi32>
        %get3A_222 = arith.index_cast %squeeze3A_221 : i32 to index
        %get3A_223 = arith.constant 0 : index
        %get3A_224 = tpu.vector_load %arg6[%get3A_222, %get3A_223] {strides = array<i32>} : memref<200x16xf32, #tpu.memory_space<vmem>>, vector<16xf32>,
        %mul3A_225 = arith.mulf %add3A_219, %div3A_19 : vector<16xf32>
        %add3A_226 = arith.addf %mul3A_225, %get3A_224 : vector<16xf32>
        %slice3A_227 = vector.extract_strided_slice %gather3A_67 {offsets = [12], sizes = [1], strides = [1]} : vector<16xi32> to vector<1xi32>
        %squeeze3A_228 = vector.extract %slice3A_227[0] : i32 from vector<1xi32>
        %get3A_229 = arith.index_cast %squeeze3A_228 : i32 to index
        %get3A_230 = arith.constant 0 : index
        %get3A_231 = tpu.vector_load %arg6[%get3A_229, %get3A_230] {strides = array<i32>} : memref<200x16xf32, #tpu.memory_space<vmem>>, vector<16xf32>,
        %mul3A_232 = arith.mulf %add3A_226, %div3A_19 : vector<16xf32>
        %add3A_233 = arith.addf %mul3A_232, %get3A_231 : vector<16xf32>
        %slice3A_234 = vector.extract_strided_slice %gather3A_67 {offsets = [11], sizes = [1], strides = [1]} : vector<16xi32> to vector<1xi32>
        %squeeze3A_235 = vector.extract %slice3A_234[0] : i32 from vector<1xi32>
        %get3A_236 = arith.index_cast %squeeze3A_235 : i32 to index
        %get3A_237 = arith.constant 0 : index
        %get3A_238 = tpu.vector_load %arg6[%get3A_236, %get3A_237] {strides = array<i32>} : memref<200x16xf32, #tpu.memory_space<vmem>>, vector<16xf32>,
        %mul3A_239 = arith.mulf %add3A_233, %div3A_19 : vector<16xf32>
        %add3A_240 = arith.addf %mul3A_239, %get3A_238 : vector<16xf32>
        %slice3A_241 = vector.extract_strided_slice %gather3A_67 {offsets = [10], sizes = [1], strides = [1]} : vector<16xi32> to vector<1xi32>
        %squeeze3A_242 = vector.extract %slice3A_241[0] : i32 from vector<1xi32>
        %get3A_243 = arith.index_cast %squeeze3A_242 : i32 to index
        %get3A_244 = arith.constant 0 : index
        %get3A_245 = tpu.vector_load %arg6[%get3A_243, %get3A_244] {strides = array<i32>} : memref<200x16xf32, #tpu.memory_space<vmem>>, vector<16xf32>,
        %mul3A_246 = arith.mulf %add3A_240, %div3A_19 : vector<16xf32>
        %add3A_247 = arith.addf %mul3A_246, %get3A_245 : vector<16xf32>
        %slice3A_248 = vector.extract_strided_slice %gather3A_67 {offsets = [9], sizes = [1], strides = [1]} : vector<16xi32> to vector<1xi32>
        %squeeze3A_249 = vector.extract %slice3A_248[0] : i32 from vector<1xi32>
        %get3A_250 = arith.index_cast %squeeze3A_249 : i32 to index
        %get3A_251 = arith.constant 0 : index
        %get3A_252 = tpu.vector_load %arg6[%get3A_250, %get3A_251] {strides = array<i32>} : memref<200x16xf32, #tpu.memory_space<vmem>>, vector<16xf32>,
        %mul3A_253 = arith.mulf %add3A_247, %div3A_19 : vector<16xf32>
        %add3A_254 = arith.addf %mul3A_253, %get3A_252 : vector<16xf32>
        %slice3A_255 = vector.extract_strided_slice %gather3A_67 {offsets = [8], sizes = [1], strides = [1]} : vector<16xi32> to vector<1xi32>
        %squeeze3A_256 = vector.extract %slice3A_255[0] : i32 from vector<1xi32>
        %get3A_257 = arith.index_cast %squeeze3A_256 : i32 to index
        %get3A_258 = arith.constant 0 : index
        %get3A_259 = tpu.vector_load %arg6[%get3A_257, %get3A_258] {strides = array<i32>} : memref<200x16xf32, #tpu.memory_space<vmem>>, vector<16xf32>,
        %mul3A_260 = arith.mulf %add3A_254, %div3A_19 : vector<16xf32>
        %add3A_261 = arith.addf %mul3A_260, %get3A_259 : vector<16xf32>
        %slice3A_262 = vector.extract_strided_slice %gather3A_67 {offsets = [7], sizes = [1], strides = [1]} : vector<16xi32> to vector<1xi32>
        %squeeze3A_263 = vector.extract %slice3A_262[0] : i32 from vector<1xi32>
        %get3A_264 = arith.index_cast %squeeze3A_263 : i32 to index
        %get3A_265 = arith.constant 0 : index
        %get3A_266 = tpu.vector_load %arg6[%get3A_264, %get3A_265] {strides = array<i32>} : memref<200x16xf32, #tpu.memory_space<vmem>>, vector<16xf32>,
        %mul3A_267 = arith.mulf %add3A_261, %div3A_19 : vector<16xf32>
        %add3A_268 = arith.addf %mul3A_267, %get3A_266 : vector<16xf32>
        %slice3A_269 = vector.extract_strided_slice %gather3A_67 {offsets = [6], sizes = [1], strides = [1]} : vector<16xi32> to vector<1xi32>
        %squeeze3A_270 = vector.extract %slice3A_269[0] : i32 from vector<1xi32>
        %get3A_271 = arith.index_cast %squeeze3A_270 : i32 to index
        %get3A_272 = arith.constant 0 : index
        %get3A_273 = tpu.vector_load %arg6[%get3A_271, %get3A_272] {strides = array<i32>} : memref<200x16xf32, #tpu.memory_space<vmem>>, vector<16xf32>,
        %mul3A_274 = arith.mulf %add3A_268, %div3A_19 : vector<16xf32>
        %add3A_275 = arith.addf %mul3A_274, %get3A_273 : vector<16xf32>
        %slice3A_276 = vector.extract_strided_slice %gather3A_67 {offsets = [5], sizes = [1], strides = [1]} : vector<16xi32> to vector<1xi32>
        %squeeze3A_277 = vector.extract %slice3A_276[0] : i32 from vector<1xi32>
        %get3A_278 = arith.index_cast %squeeze3A_277 : i32 to index
        %get3A_279 = arith.constant 0 : index
        %get3A_280 = tpu.vector_load %arg6[%get3A_278, %get3A_279] {strides = array<i32>} : memref<200x16xf32, #tpu.memory_space<vmem>>, vector<16xf32>,
        %mul3A_281 = arith.mulf %add3A_275, %div3A_19 : vector<16xf32>
        %add3A_282 = arith.addf %mul3A_281, %get3A_280 : vector<16xf32>
        %slice3A_283 = vector.extract_strided_slice %gather3A_67 {offsets = [4], sizes = [1], strides = [1]} : vector<16xi32> to vector<1xi32>
        %squeeze3A_284 = vector.extract %slice3A_283[0] : i32 from vector<1xi32>
        %get3A_285 = arith.index_cast %squeeze3A_284 : i32 to index
        %get3A_286 = arith.constant 0 : index
        %get3A_287 = tpu.vector_load %arg6[%get3A_285, %get3A_286] {strides = array<i32>} : memref<200x16xf32, #tpu.memory_space<vmem>>, vector<16xf32>,
        %mul3A_288 = arith.mulf %add3A_282, %div3A_19 : vector<16xf32>
        %add3A_289 = arith.addf %mul3A_288, %get3A_287 : vector<16xf32>
        %slice3A_290 = vector.extract_strided_slice %gather3A_67 {offsets = [3], sizes = [1], strides = [1]} : vector<16xi32> to vector<1xi32>
        %squeeze3A_291 = vector.extract %slice3A_290[0] : i32 from vector<1xi32>
        %get3A_292 = arith.index_cast %squeeze3A_291 : i32 to index
        %get3A_293 = arith.constant 0 : index
        %get3A_294 = tpu.vector_load %arg6[%get3A_292, %get3A_293] {strides = array<i32>} : memref<200x16xf32, #tpu.memory_space<vmem>>, vector<16xf32>,
        %mul3A_295 = arith.mulf %add3A_289, %div3A_19 : vector<16xf32>
        %add3A_296 = arith.addf %mul3A_295, %get3A_294 : vector<16xf32>
        %slice3A_297 = vector.extract_strided_slice %gather3A_67 {offsets = [2], sizes = [1], strides = [1]} : vector<16xi32> to vector<1xi32>
        %squeeze3A_298 = vector.extract %slice3A_297[0] : i32 from vector<1xi32>
        %get3A_299 = arith.index_cast %squeeze3A_298 : i32 to index
        %get3A_300 = arith.constant 0 : index
        %get3A_301 = tpu.vector_load %arg6[%get3A_299, %get3A_300] {strides = array<i32>} : memref<200x16xf32, #tpu.memory_space<vmem>>, vector<16xf32>,
        %mul3A_302 = arith.mulf %add3A_296, %div3A_19 : vector<16xf32>
        %add3A_303 = arith.addf %mul3A_302, %get3A_301 : vector<16xf32>
        %slice3A_304 = vector.extract_strided_slice %gather3A_67 {offsets = [1], sizes = [1], strides = [1]} : vector<16xi32> to vector<1xi32>
        %squeeze3A_305 = vector.extract %slice3A_304[0] : i32 from vector<1xi32>
        %get3A_306 = arith.index_cast %squeeze3A_305 : i32 to index
        %get3A_307 = arith.constant 0 : index
        %get3A_308 = tpu.vector_load %arg6[%get3A_306, %get3A_307] {strides = array<i32>} : memref<200x16xf32, #tpu.memory_space<vmem>>, vector<16xf32>,
        %mul3A_309 = arith.mulf %add3A_303, %div3A_19 : vector<16xf32>
        %add3A_310 = arith.addf %mul3A_309, %get3A_308 : vector<16xf32>
        %slice3A_311 = vector.extract_strided_slice %gather3A_67 {offsets = [0], sizes = [1], strides = [1]} : vector<16xi32> to vector<1xi32>
        %squeeze3A_312 = vector.extract %slice3A_311[0] : i32 from vector<1xi32>
        %get3A_313 = arith.index_cast %squeeze3A_312 : i32 to index
        %get3A_314 = arith.constant 0 : index
        %get3A_315 = tpu.vector_load %arg6[%get3A_313, %get3A_314] {strides = array<i32>} : memref<200x16xf32, #tpu.memory_space<vmem>>, vector<16xf32>,
        %mul3A_316 = arith.mulf %add3A_310, %div3A_19 : vector<16xf32>
        %add3A_317 = arith.addf %mul3A_316, %get3A_315 : vector<16xf32>
        %slice3A_318 = vector.extract_strided_slice %gather3A {offsets = [15], sizes = [1], strides = [1]} : vector<16xi32> to vector<1xi32>
        %squeeze3A_319 = vector.extract %slice3A_318[0] : i32 from vector<1xi32>
        %get3A_320 = arith.index_cast %squeeze3A_319 : i32 to index
        %get3A_321 = arith.constant 0 : index
        %get3A_322 = tpu.vector_load %arg6[%get3A_320, %get3A_321] {strides = array<i32>} : memref<200x16xf32, #tpu.memory_space<vmem>>, vector<16xf32>,
        %mul3A_323 = arith.mulf %add3A_317, %div3A_19 : vector<16xf32>
        %add3A_324 = arith.addf %mul3A_323, %get3A_322 : vector<16xf32>
        %slice3A_325 = vector.extract_strided_slice %gather3A {offsets = [14], sizes = [1], strides = [1]} : vector<16xi32> to vector<1xi32>
        %squeeze3A_326 = vector.extract %slice3A_325[0] : i32 from vector<1xi32>
        %get3A_327 = arith.index_cast %squeeze3A_326 : i32 to index
        %get3A_328 = arith.constant 0 : index
        %get3A_329 = tpu.vector_load %arg6[%get3A_327, %get3A_328] {strides = array<i32>} : memref<200x16xf32, #tpu.memory_space<vmem>>, vector<16xf32>,
        %mul3A_330 = arith.mulf %add3A_324, %div3A_19 : vector<16xf32>
        %add3A_331 = arith.addf %mul3A_330, %get3A_329 : vector<16xf32>
        %slice3A_332 = vector.extract_strided_slice %gather3A {offsets = [13], sizes = [1], strides = [1]} : vector<16xi32> to vector<1xi32>
        %squeeze3A_333 = vector.extract %slice3A_332[0] : i32 from vector<1xi32>
        %get3A_334 = arith.index_cast %squeeze3A_333 : i32 to index
        %get3A_335 = arith.constant 0 : index
        %get3A_336 = tpu.vector_load %arg6[%get3A_334, %get3A_335] {strides = array<i32>} : memref<200x16xf32, #tpu.memory_space<vmem>>, vector<16xf32>,
        %mul3A_337 = arith.mulf %add3A_331, %div3A_19 : vector<16xf32>
        %add3A_338 = arith.addf %mul3A_337, %get3A_336 : vector<16xf32>
        %slice3A_339 = vector.extract_strided_slice %gather3A {offsets = [12], sizes = [1], strides = [1]} : vector<16xi32> to vector<1xi32>
        %squeeze3A_340 = vector.extract %slice3A_339[0] : i32 from vector<1xi32>
        %get3A_341 = arith.index_cast %squeeze3A_340 : i32 to index
        %get3A_342 = arith.constant 0 : index
        %get3A_343 = tpu.vector_load %arg6[%get3A_341, %get3A_342] {strides = array<i32>} : memref<200x16xf32, #tpu.memory_space<vmem>>, vector<16xf32>,
        %mul3A_344 = arith.mulf %add3A_338, %div3A_19 : vector<16xf32>
        %add3A_345 = arith.addf %mul3A_344, %get3A_343 : vector<16xf32>
        %slice3A_346 = vector.extract_strided_slice %gather3A {offsets = [11], sizes = [1], strides = [1]} : vector<16xi32> to vector<1xi32>
        %squeeze3A_347 = vector.extract %slice3A_346[0] : i32 from vector<1xi32>
        %get3A_348 = arith.index_cast %squeeze3A_347 : i32 to index
        %get3A_349 = arith.constant 0 : index
        %get3A_350 = tpu.vector_load %arg6[%get3A_348, %get3A_349] {strides = array<i32>} : memref<200x16xf32, #tpu.memory_space<vmem>>, vector<16xf32>,
        %mul3A_351 = arith.mulf %add3A_345, %div3A_19 : vector<16xf32>
        %add3A_352 = arith.addf %mul3A_351, %get3A_350 : vector<16xf32>
        %slice3A_353 = vector.extract_strided_slice %gather3A {offsets = [10], sizes = [1], strides = [1]} : vector<16xi32> to vector<1xi32>
        %squeeze3A_354 = vector.extract %slice3A_353[0] : i32 from vector<1xi32>
        %get3A_355 = arith.index_cast %squeeze3A_354 : i32 to index
        %get3A_356 = arith.constant 0 : index
        %get3A_357 = tpu.vector_load %arg6[%get3A_355, %get3A_356] {strides = array<i32>} : memref<200x16xf32, #tpu.memory_space<vmem>>, vector<16xf32>,
        %mul3A_358 = arith.mulf %add3A_352, %div3A_19 : vector<16xf32>
        %add3A_359 = arith.addf %mul3A_358, %get3A_357 : vector<16xf32>
        %slice3A_360 = vector.extract_strided_slice %gather3A {offsets = [9], sizes = [1], strides = [1]} : vector<16xi32> to vector<1xi32>
        %squeeze3A_361 = vector.extract %slice3A_360[0] : i32 from vector<1xi32>
        %get3A_362 = arith.index_cast %squeeze3A_361 : i32 to index
        %get3A_363 = arith.constant 0 : index
        %get3A_364 = tpu.vector_load %arg6[%get3A_362, %get3A_363] {strides = array<i32>} : memref<200x16xf32, #tpu.memory_space<vmem>>, vector<16xf32>,
        %mul3A_365 = arith.mulf %add3A_359, %div3A_19 : vector<16xf32>
        %add3A_366 = arith.addf %mul3A_365, %get3A_364 : vector<16xf32>
        %slice3A_367 = vector.extract_strided_slice %gather3A {offsets = [8], sizes = [1], strides = [1]} : vector<16xi32> to vector<1xi32>
        %squeeze3A_368 = vector.extract %slice3A_367[0] : i32 from vector<1xi32>
        %get3A_369 = arith.index_cast %squeeze3A_368 : i32 to index
        %get3A_370 = arith.constant 0 : index
        %get3A_371 = tpu.vector_load %arg6[%get3A_369, %get3A_370] {strides = array<i32>} : memref<200x16xf32, #tpu.memory_space<vmem>>, vector<16xf32>,
        %mul3A_372 = arith.mulf %add3A_366, %div3A_19 : vector<16xf32>
        %add3A_373 = arith.addf %mul3A_372, %get3A_371 : vector<16xf32>
        %slice3A_374 = vector.extract_strided_slice %gather3A {offsets = [7], sizes = [1], strides = [1]} : vector<16xi32> to vector<1xi32>
        %squeeze3A_375 = vector.extract %slice3A_374[0] : i32 from vector<1xi32>
        %get3A_376 = arith.index_cast %squeeze3A_375 : i32 to index
        %get3A_377 = arith.constant 0 : index
        %get3A_378 = tpu.vector_load %arg6[%get3A_376, %get3A_377] {strides = array<i32>} : memref<200x16xf32, #tpu.memory_space<vmem>>, vector<16xf32>,
        %mul3A_379 = arith.mulf %add3A_373, %div3A_19 : vector<16xf32>
        %add3A_380 = arith.addf %mul3A_379, %get3A_378 : vector<16xf32>
        %slice3A_381 = vector.extract_strided_slice %gather3A {offsets = [6], sizes = [1], strides = [1]} : vector<16xi32> to vector<1xi32>
        %squeeze3A_382 = vector.extract %slice3A_381[0] : i32 from vector<1xi32>
        %get3A_383 = arith.index_cast %squeeze3A_382 : i32 to index
        %get3A_384 = arith.constant 0 : index
        %get3A_385 = tpu.vector_load %arg6[%get3A_383, %get3A_384] {strides = array<i32>} : memref<200x16xf32, #tpu.memory_space<vmem>>, vector<16xf32>,
        %mul3A_386 = arith.mulf %add3A_380, %div3A_19 : vector<16xf32>
        %add3A_387 = arith.addf %mul3A_386, %get3A_385 : vector<16xf32>
        %slice3A_388 = vector.extract_strided_slice %gather3A {offsets = [5], sizes = [1], strides = [1]} : vector<16xi32> to vector<1xi32>
        %squeeze3A_389 = vector.extract %slice3A_388[0] : i32 from vector<1xi32>
        %get3A_390 = arith.index_cast %squeeze3A_389 : i32 to index
        %get3A_391 = arith.constant 0 : index
        %get3A_392 = tpu.vector_load %arg6[%get3A_390, %get3A_391] {strides = array<i32>} : memref<200x16xf32, #tpu.memory_space<vmem>>, vector<16xf32>,
        %mul3A_393 = arith.mulf %add3A_387, %div3A_19 : vector<16xf32>
        %add3A_394 = arith.addf %mul3A_393, %get3A_392 : vector<16xf32>
        %slice3A_395 = vector.extract_strided_slice %gather3A {offsets = [4], sizes = [1], strides = [1]} : vector<16xi32> to vector<1xi32>
        %squeeze3A_396 = vector.extract %slice3A_395[0] : i32 from vector<1xi32>
        %get3A_397 = arith.index_cast %squeeze3A_396 : i32 to index
        %get3A_398 = arith.constant 0 : index
        %get3A_399 = tpu.vector_load %arg6[%get3A_397, %get3A_398] {strides = array<i32>} : memref<200x16xf32, #tpu.memory_space<vmem>>, vector<16xf32>,
        %mul3A_400 = arith.mulf %add3A_394, %div3A_19 : vector<16xf32>
        %add3A_401 = arith.addf %mul3A_400, %get3A_399 : vector<16xf32>
        %slice3A_402 = vector.extract_strided_slice %gather3A {offsets = [3], sizes = [1], strides = [1]} : vector<16xi32> to vector<1xi32>
        %squeeze3A_403 = vector.extract %slice3A_402[0] : i32 from vector<1xi32>
        %get3A_404 = arith.index_cast %squeeze3A_403 : i32 to index
        %get3A_405 = arith.constant 0 : index
        %get3A_406 = tpu.vector_load %arg6[%get3A_404, %get3A_405] {strides = array<i32>} : memref<200x16xf32, #tpu.memory_space<vmem>>, vector<16xf32>,
        %mul3A_407 = arith.mulf %add3A_401, %div3A_19 : vector<16xf32>
        %add3A_408 = arith.addf %mul3A_407, %get3A_406 : vector<16xf32>
        %slice3A_409 = vector.extract_strided_slice %gather3A {offsets = [2], sizes = [1], strides = [1]} : vector<16xi32> to vector<1xi32>
        %squeeze3A_410 = vector.extract %slice3A_409[0] : i32 from vector<1xi32>
        %get3A_411 = arith.index_cast %squeeze3A_410 : i32 to index
        %get3A_412 = arith.constant 0 : index
        %get3A_413 = tpu.vector_load %arg6[%get3A_411, %get3A_412] {strides = array<i32>} : memref<200x16xf32, #tpu.memory_space<vmem>>, vector<16xf32>,
        %mul3A_414 = arith.mulf %add3A_408, %div3A_19 : vector<16xf32>
        %add3A_415 = arith.addf %mul3A_414, %get3A_413 : vector<16xf32>
        %slice3A_416 = vector.extract_strided_slice %gather3A {offsets = [1], sizes = [1], strides = [1]} : vector<16xi32> to vector<1xi32>
        %squeeze3A_417 = vector.extract %slice3A_416[0] : i32 from vector<1xi32>
        %get3A_418 = arith.index_cast %squeeze3A_417 : i32 to index
        %get3A_419 = arith.constant 0 : index
        %get3A_420 = tpu.vector_load %arg6[%get3A_418, %get3A_419] {strides = array<i32>} : memref<200x16xf32, #tpu.memory_space<vmem>>, vector<16xf32>,
        %mul3A_421 = arith.mulf %add3A_415, %div3A_19 : vector<16xf32>
        %add3A_422 = arith.addf %mul3A_421, %get3A_420 : vector<16xf32>
        %slice3A_423 = vector.extract_strided_slice %gather3A {offsets = [0], sizes = [1], strides = [1]} : vector<16xi32> to vector<1xi32>
        %squeeze3A_424 = vector.extract %slice3A_423[0] : i32 from vector<1xi32>
        %get3A_425 = arith.index_cast %squeeze3A_424 : i32 to index
        %get3A_426 = arith.constant 0 : index
        %get3A_427 = tpu.vector_load %arg6[%get3A_425, %get3A_426] {strides = array<i32>} : memref<200x16xf32, #tpu.memory_space<vmem>>, vector<16xf32>,
        %mul3A_428 = arith.mulf %add3A_422, %div3A_19 : vector<16xf32>
        %add3A_429 = arith.addf %mul3A_428, %get3A_427 : vector<16xf32>
        %swap3A = arith.index_cast %scan3A_51 : i32 to index
        %swap3A_430 = arith.constant 0 : index
        %swap3A_431 = tpu.vector_load %arg10[%swap3A, %swap3A_430] {strides = array<i32>} : memref<200x16xf32, #tpu.memory_space<vmem>>, vector<16xf32>,
        tpu.vector_store %arg10[%swap3A, %swap3A_430], %add3A_429 {strides = array<i32>} : memref<200x16xf32, #tpu.memory_space<vmem>>, vector<16xf32>,
        %add3A_432 = arith.addf %scan3A_52, %add3A_429 : vector<16xf32>
        scf.yield %add3A_432 : vector<16xf32>
      }
      %scan3A_50 = arith.constant 200 : i32
      scf.yield %scan3A_49 : vector<16xf32>
    }
    %mul3A_36 = arith.constant 5.000000e-03 : f32
    %mul3A_37 = vector.broadcast %mul3A_36 : f32 to vector<16xf32>
    %mul3A_38 = arith.mulf %cond3A_35, %mul3A_37 : vector<16xf32>
    %scan3A = arith.constant 0 : i32
    %scan3A_39 = arith.constant 0 : i32
    %scan3A_40 = arith.constant 20 : i32
    %scan3A_41 = arith.addi %scan3A_39, %scan3A_40 : i32
    %scan3A_42 = arith.constant 1 : i32
    scf.for %scan3A_44 = %scan3A_39 to %scan3A_41 step %scan3A_42  : i32 {
      %mul3A_45 = arith.constant 10 : i32
      %mul3A_46 = arith.muli %scan3A_44, %mul3A_45 : i32
      %add3A_47 = arith.constant 0 : i32
      %add3A_48 = arith.addi %mul3A_46, %add3A_47 : i32
      %get3A_49 = arith.index_cast %add3A_48 : i32 to index
      %get3A_50 = arith.constant 0 : index
      %get3A_51 = tpu.vector_load %arg6[%get3A_49, %get3A_50] {strides = array<i32>} : memref<200x16xf32, #tpu.memory_space<vmem>>, vector<16xf32>,
      %get3A_52 = arith.index_cast %add3A_48 : i32 to index
      %get3A_53 = arith.constant 0 : index
      %get3A_54 = tpu.vector_load %arg10[%get3A_52, %get3A_53] {strides = array<i32>} : memref<200x16xf32, #tpu.memory_space<vmem>>, vector<16xf32>,
      %sub3A = arith.subf %get3A_54, %mul3A_38 : vector<16xf32>
      %mul3A_55 = arith.mulf %div3A_19, %sub3A : vector<16xf32>
      %add3A_56 = arith.addf %get3A_51, %mul3A_55 : vector<16xf32>
      %swap3A = arith.index_cast %add3A_48 : i32 to index
      %swap3A_57 = arith.constant 0 : index
      %swap3A_58 = tpu.vector_load %arg10[%swap3A, %swap3A_57] {strides = array<i32>} : memref<200x16xf32, #tpu.memory_space<vmem>>, vector<16xf32>,
      tpu.vector_store %arg10[%swap3A, %swap3A_57], %add3A_56 {strides = array<i32>} : memref<200x16xf32, #tpu.memory_space<vmem>>, vector<16xf32>,
      %add3A_59 = arith.constant 1 : i32
      %add3A_60 = arith.addi %mul3A_46, %add3A_59 : i32
      %get3A_61 = arith.index_cast %add3A_60 : i32 to index
      %get3A_62 = arith.constant 0 : index
      %get3A_63 = tpu.vector_load %arg6[%get3A_61, %get3A_62] {strides = array<i32>} : memref<200x16xf32, #tpu.memory_space<vmem>>, vector<16xf32>,
      %get3A_64 = arith.index_cast %add3A_60 : i32 to index
      %get3A_65 = arith.constant 0 : index
      %get3A_66 = tpu.vector_load %arg10[%get3A_64, %get3A_65] {strides = array<i32>} : memref<200x16xf32, #tpu.memory_space<vmem>>, vector<16xf32>,
      %sub3A_67 = arith.subf %get3A_66, %mul3A_38 : vector<16xf32>
      %mul3A_68 = arith.mulf %div3A_19, %sub3A_67 : vector<16xf32>
      %add3A_69 = arith.addf %get3A_63, %mul3A_68 : vector<16xf32>
      %swap3A_70 = arith.index_cast %add3A_60 : i32 to index
      %swap3A_71 = arith.constant 0 : index
      %swap3A_72 = tpu.vector_load %arg10[%swap3A_70, %swap3A_71] {strides = array<i32>} : memref<200x16xf32, #tpu.memory_space<vmem>>, vector<16xf32>,
      tpu.vector_store %arg10[%swap3A_70, %swap3A_71], %add3A_69 {strides = array<i32>} : memref<200x16xf32, #tpu.memory_space<vmem>>, vector<16xf32>,
      %add3A_73 = arith.constant 2 : i32
      %add3A_74 = arith.addi %mul3A_46, %add3A_73 : i32
      %get3A_75 = arith.index_cast %add3A_74 : i32 to index
      %get3A_76 = arith.constant 0 : index
      %get3A_77 = tpu.vector_load %arg6[%get3A_75, %get3A_76] {strides = array<i32>} : memref<200x16xf32, #tpu.memory_space<vmem>>, vector<16xf32>,
      %get3A_78 = arith.index_cast %add3A_74 : i32 to index
      %get3A_79 = arith.constant 0 : index
      %get3A_80 = tpu.vector_load %arg10[%get3A_78, %get3A_79] {strides = array<i32>} : memref<200x16xf32, #tpu.memory_space<vmem>>, vector<16xf32>,
      %sub3A_81 = arith.subf %get3A_80, %mul3A_38 : vector<16xf32>
      %mul3A_82 = arith.mulf %div3A_19, %sub3A_81 : vector<16xf32>
      %add3A_83 = arith.addf %get3A_77, %mul3A_82 : vector<16xf32>
      %swap3A_84 = arith.index_cast %add3A_74 : i32 to index
      %swap3A_85 = arith.constant 0 : index
      %swap3A_86 = tpu.vector_load %arg10[%swap3A_84, %swap3A_85] {strides = array<i32>} : memref<200x16xf32, #tpu.memory_space<vmem>>, vector<16xf32>,
      tpu.vector_store %arg10[%swap3A_84, %swap3A_85], %add3A_83 {strides = array<i32>} : memref<200x16xf32, #tpu.memory_space<vmem>>, vector<16xf32>,
      %add3A_87 = arith.constant 3 : i32
      %add3A_88 = arith.addi %mul3A_46, %add3A_87 : i32
      %get3A_89 = arith.index_cast %add3A_88 : i32 to index
      %get3A_90 = arith.constant 0 : index
      %get3A_91 = tpu.vector_load %arg6[%get3A_89, %get3A_90] {strides = array<i32>} : memref<200x16xf32, #tpu.memory_space<vmem>>, vector<16xf32>,
      %get3A_92 = arith.index_cast %add3A_88 : i32 to index
      %get3A_93 = arith.constant 0 : index
      %get3A_94 = tpu.vector_load %arg10[%get3A_92, %get3A_93] {strides = array<i32>} : memref<200x16xf32, #tpu.memory_space<vmem>>, vector<16xf32>,
      %sub3A_95 = arith.subf %get3A_94, %mul3A_38 : vector<16xf32>
      %mul3A_96 = arith.mulf %div3A_19, %sub3A_95 : vector<16xf32>
      %add3A_97 = arith.addf %get3A_91, %mul3A_96 : vector<16xf32>
      %swap3A_98 = arith.index_cast %add3A_88 : i32 to index
      %swap3A_99 = arith.constant 0 : index
      %swap3A_100 = tpu.vector_load %arg10[%swap3A_98, %swap3A_99] {strides = array<i32>} : memref<200x16xf32, #tpu.memory_space<vmem>>, vector<16xf32>,
      tpu.vector_store %arg10[%swap3A_98, %swap3A_99], %add3A_97 {strides = array<i32>} : memref<200x16xf32, #tpu.memory_space<vmem>>, vector<16xf32>,
      %add3A_101 = arith.constant 4 : i32
      %add3A_102 = arith.addi %mul3A_46, %add3A_101 : i32
      %get3A_103 = arith.index_cast %add3A_102 : i32 to index
      %get3A_104 = arith.constant 0 : index
      %get3A_105 = tpu.vector_load %arg6[%get3A_103, %get3A_104] {strides = array<i32>} : memref<200x16xf32, #tpu.memory_space<vmem>>, vector<16xf32>,
      %get3A_106 = arith.index_cast %add3A_102 : i32 to index
      %get3A_107 = arith.constant 0 : index
      %get3A_108 = tpu.vector_load %arg10[%get3A_106, %get3A_107] {strides = array<i32>} : memref<200x16xf32, #tpu.memory_space<vmem>>, vector<16xf32>,
      %sub3A_109 = arith.subf %get3A_108, %mul3A_38 : vector<16xf32>
      %mul3A_110 = arith.mulf %div3A_19, %sub3A_109 : vector<16xf32>
      %add3A_111 = arith.addf %get3A_105, %mul3A_110 : vector<16xf32>
      %swap3A_112 = arith.index_cast %add3A_102 : i32 to index
      %swap3A_113 = arith.constant 0 : index
      %swap3A_114 = tpu.vector_load %arg10[%swap3A_112, %swap3A_113] {strides = array<i32>} : memref<200x16xf32, #tpu.memory_space<vmem>>, vector<16xf32>,
      tpu.vector_store %arg10[%swap3A_112, %swap3A_113], %add3A_111 {strides = array<i32>} : memref<200x16xf32, #tpu.memory_space<vmem>>, vector<16xf32>,
      %add3A_115 = arith.constant 5 : i32
      %add3A_116 = arith.addi %mul3A_46, %add3A_115 : i32
      %get3A_117 = arith.index_cast %add3A_116 : i32 to index
      %get3A_118 = arith.constant 0 : index
      %get3A_119 = tpu.vector_load %arg6[%get3A_117, %get3A_118] {strides = array<i32>} : memref<200x16xf32, #tpu.memory_space<vmem>>, vector<16xf32>,
      %get3A_120 = arith.index_cast %add3A_116 : i32 to index
      %get3A_121 = arith.constant 0 : index
      %get3A_122 = tpu.vector_load %arg10[%get3A_120, %get3A_121] {strides = array<i32>} : memref<200x16xf32, #tpu.memory_space<vmem>>, vector<16xf32>,
      %sub3A_123 = arith.subf %get3A_122, %mul3A_38 : vector<16xf32>
      %mul3A_124 = arith.mulf %div3A_19, %sub3A_123 : vector<16xf32>
      %add3A_125 = arith.addf %get3A_119, %mul3A_124 : vector<16xf32>
      %swap3A_126 = arith.index_cast %add3A_116 : i32 to index
      %swap3A_127 = arith.constant 0 : index
      %swap3A_128 = tpu.vector_load %arg10[%swap3A_126, %swap3A_127] {strides = array<i32>} : memref<200x16xf32, #tpu.memory_space<vmem>>, vector<16xf32>,
      tpu.vector_store %arg10[%swap3A_126, %swap3A_127], %add3A_125 {strides = array<i32>} : memref<200x16xf32, #tpu.memory_space<vmem>>, vector<16xf32>,
      %add3A_129 = arith.constant 6 : i32
      %add3A_130 = arith.addi %mul3A_46, %add3A_129 : i32
      %get3A_131 = arith.index_cast %add3A_130 : i32 to index
      %get3A_132 = arith.constant 0 : index
      %get3A_133 = tpu.vector_load %arg6[%get3A_131, %get3A_132] {strides = array<i32>} : memref<200x16xf32, #tpu.memory_space<vmem>>, vector<16xf32>,
      %get3A_134 = arith.index_cast %add3A_130 : i32 to index
      %get3A_135 = arith.constant 0 : index
      %get3A_136 = tpu.vector_load %arg10[%get3A_134, %get3A_135] {strides = array<i32>} : memref<200x16xf32, #tpu.memory_space<vmem>>, vector<16xf32>,
      %sub3A_137 = arith.subf %get3A_136, %mul3A_38 : vector<16xf32>
      %mul3A_138 = arith.mulf %div3A_19, %sub3A_137 : vector<16xf32>
      %add3A_139 = arith.addf %get3A_133, %mul3A_138 : vector<16xf32>
      %swap3A_140 = arith.index_cast %add3A_130 : i32 to index
      %swap3A_141 = arith.constant 0 : index
      %swap3A_142 = tpu.vector_load %arg10[%swap3A_140, %swap3A_141] {strides = array<i32>} : memref<200x16xf32, #tpu.memory_space<vmem>>, vector<16xf32>,
      tpu.vector_store %arg10[%swap3A_140, %swap3A_141], %add3A_139 {strides = array<i32>} : memref<200x16xf32, #tpu.memory_space<vmem>>, vector<16xf32>,
      %add3A_143 = arith.constant 7 : i32
      %add3A_144 = arith.addi %mul3A_46, %add3A_143 : i32
      %get3A_145 = arith.index_cast %add3A_144 : i32 to index
      %get3A_146 = arith.constant 0 : index
      %get3A_147 = tpu.vector_load %arg6[%get3A_145, %get3A_146] {strides = array<i32>} : memref<200x16xf32, #tpu.memory_space<vmem>>, vector<16xf32>,
      %get3A_148 = arith.index_cast %add3A_144 : i32 to index
      %get3A_149 = arith.constant 0 : index
      %get3A_150 = tpu.vector_load %arg10[%get3A_148, %get3A_149] {strides = array<i32>} : memref<200x16xf32, #tpu.memory_space<vmem>>, vector<16xf32>,
      %sub3A_151 = arith.subf %get3A_150, %mul3A_38 : vector<16xf32>
      %mul3A_152 = arith.mulf %div3A_19, %sub3A_151 : vector<16xf32>
      %add3A_153 = arith.addf %get3A_147, %mul3A_152 : vector<16xf32>
      %swap3A_154 = arith.index_cast %add3A_144 : i32 to index
      %swap3A_155 = arith.constant 0 : index
      %swap3A_156 = tpu.vector_load %arg10[%swap3A_154, %swap3A_155] {strides = array<i32>} : memref<200x16xf32, #tpu.memory_space<vmem>>, vector<16xf32>,
      tpu.vector_store %arg10[%swap3A_154, %swap3A_155], %add3A_153 {strides = array<i32>} : memref<200x16xf32, #tpu.memory_space<vmem>>, vector<16xf32>,
      %add3A_157 = arith.constant 8 : i32
      %add3A_158 = arith.addi %mul3A_46, %add3A_157 : i32
      %get3A_159 = arith.index_cast %add3A_158 : i32 to index
      %get3A_160 = arith.constant 0 : index
      %get3A_161 = tpu.vector_load %arg6[%get3A_159, %get3A_160] {strides = array<i32>} : memref<200x16xf32, #tpu.memory_space<vmem>>, vector<16xf32>,
      %get3A_162 = arith.index_cast %add3A_158 : i32 to index
      %get3A_163 = arith.constant 0 : index
      %get3A_164 = tpu.vector_load %arg10[%get3A_162, %get3A_163] {strides = array<i32>} : memref<200x16xf32, #tpu.memory_space<vmem>>, vector<16xf32>,
      %sub3A_165 = arith.subf %get3A_164, %mul3A_38 : vector<16xf32>
      %mul3A_166 = arith.mulf %div3A_19, %sub3A_165 : vector<16xf32>
      %add3A_167 = arith.addf %get3A_161, %mul3A_166 : vector<16xf32>
      %swap3A_168 = arith.index_cast %add3A_158 : i32 to index
      %swap3A_169 = arith.constant 0 : index
      %swap3A_170 = tpu.vector_load %arg10[%swap3A_168, %swap3A_169] {strides = array<i32>} : memref<200x16xf32, #tpu.memory_space<vmem>>, vector<16xf32>,
      tpu.vector_store %arg10[%swap3A_168, %swap3A_169], %add3A_167 {strides = array<i32>} : memref<200x16xf32, #tpu.memory_space<vmem>>, vector<16xf32>,
      %add3A_171 = arith.constant 9 : i32
      %add3A_172 = arith.addi %mul3A_46, %add3A_171 : i32
      %get3A_173 = arith.index_cast %add3A_172 : i32 to index
      %get3A_174 = arith.constant 0 : index
      %get3A_175 = tpu.vector_load %arg6[%get3A_173, %get3A_174] {strides = array<i32>} : memref<200x16xf32, #tpu.memory_space<vmem>>, vector<16xf32>,
      %get3A_176 = arith.index_cast %add3A_172 : i32 to index
      %get3A_177 = arith.constant 0 : index
      %get3A_178 = tpu.vector_load %arg10[%get3A_176, %get3A_177] {strides = array<i32>} : memref<200x16xf32, #tpu.memory_space<vmem>>, vector<16xf32>,
      %sub3A_179 = arith.subf %get3A_178, %mul3A_38 : vector<16xf32>
      %mul3A_180 = arith.mulf %div3A_19, %sub3A_179 : vector<16xf32>
      %add3A_181 = arith.addf %get3A_175, %mul3A_180 : vector<16xf32>
      %swap3A_182 = arith.index_cast %add3A_172 : i32 to index
      %swap3A_183 = arith.constant 0 : index
      %swap3A_184 = tpu.vector_load %arg10[%swap3A_182, %swap3A_183] {strides = array<i32>} : memref<200x16xf32, #tpu.memory_space<vmem>>, vector<16xf32>,
      tpu.vector_store %arg10[%swap3A_182, %swap3A_183], %add3A_181 {strides = array<i32>} : memref<200x16xf32, #tpu.memory_space<vmem>>, vector<16xf32>,
    }
    %scan3A_43 = arith.constant 20 : i32
    "tpu.region"() ({
      %run_scoped3A = tpu.sem_alloc : memref<!tpu.dma_semaphore, #tpu.memory_space<semaphore_mem>>
      %dma_start3A_44 = arith.constant 0 : i32
      %dma_start3A_45 = tpu.memref_slice %arg5[%dma_start3A_44, %mul3A_2] : memref<200x512xf32, #tpu.memory_space<hbm>> -> memref<200x16xf32, #tpu.memory_space<hbm>>
      %dma_start3A_46 = arith.constant 0 : i32
      %dma_start3A_47 = tpu.memref_slice %arg5[%dma_start3A_46, %mul3A_2] : memref<200x512xf32, #tpu.memory_space<hbm>> -> memref<200x16xf32, #tpu.memory_space<hbm>>
      tpu.enqueue_dma source(%arg10 : memref<200x16xf32, #tpu.memory_space<vmem>>) target(%dma_start3A_47 : memref<200x16xf32, #tpu.memory_space<hbm>>) target_semaphore(%run_scoped3A : memref<!tpu.dma_semaphore, #tpu.memory_space<semaphore_mem>>)
      %dma_wait3A_48 = arith.constant 0 : i32
      %dma_wait3A_49 = tpu.memref_slice %arg5[%dma_wait3A_48, %mul3A_2] : memref<200x512xf32, #tpu.memory_space<hbm>> -> memref<200x16xf32, #tpu.memory_space<hbm>>
      %dma_wait3A_50 = arith.constant 0 : i32
      %dma_wait3A_51 = tpu.memref_slice %arg5[%dma_wait3A_50, %mul3A_2] : memref<200x512xf32, #tpu.memory_space<hbm>> -> memref<200x16xf32, #tpu.memory_space<hbm>>
      tpu.wait_dma2 semaphore(%run_scoped3A : memref<!tpu.dma_semaphore, #tpu.memory_space<semaphore_mem>>) src(%arg10 : memref<200x16xf32, #tpu.memory_space<vmem>>) dst(%dma_wait3A_51 : memref<200x16xf32, #tpu.memory_space<hbm>>)
      tpu.yield
    }) : () -> ()
    return
  }
}

</mosaic_0001>

<sc_bundles>
// kernel: _echo.3.cloned.1.call-start
scs
__scs_entry_jumppad:
0x0: {  	(pc) =	sbr.rel $0x88, $3  }
0x1: {  	(tag) =	ssettag $0x0;
	lr =	simm.s32 $0x1  }
0x2: {  	[smem:$0x3F9E] =	sst lr;
	_ =	strace $0xD0000000  }
0x3: {  	_ = 	snop  }
0x4: {  	_ = 	snop  }
0x5: {  	_ = 	snop  }
0x6: {  	_ = 	snop  }
0x7: {  	_ = 	snop  }
__scs_overlays_trampoline_lowered:
0x8: {  	[smem:$0x3FAD] =	sst s0  }
0x9: {  	[smem:$0x3FAE] =	sst s1  }
0xa: {  	[smem:$0x3FAF] =	sst s2  }
0xb: {  	[smem:$0x3FB0] =	sst s3  }
0xc: {  	[smem:$0x3FB1] =	sst s4  }
0xd: {  	[smem:$0x3FB2] =	sst s5  }
0xe: {  	[smem:$0x3FB3] =	sst s6  }
0xf: {  	[smem:$0x3FB4] =	sst s7  }
0x10: {  	[smem:$0x3FB5] =	sst s8  }
0x11: {  	[smem:$0x3FB6] =	sst s9;
	s0 =	simm.s32 @!p0 $0x0  }
0x12: {  	s1 =	sld [smem:$0x3F9C];
	s0 =	simm.s32 @p0 $0x1  }
0x13: {  	[smem:$0x3FB7] =	sst s0;
	s0 =	simm.s32 @!p1 $0x0  }
0x14: {  	s2 =	sld [smem:$0x3F9B];
	s0 =	simm.s32 @p1 $0x1  }
0x15: {  	[smem:$0x3FB8] =	sst s0;
	s0 =	simm.s32 @!p2 $0x0  }
0x16: {  	s3 =	sld [smem:$0x3FDB];
	s0 =	simm.s32 @p2 $0x1  }
0x17: {  	s4 =	simm.s32 $0x1BF5;
	[smem:$0x3FBA] =	sst s0  }
0x18: {  	s0 =	sld [smem:$0x3F9D];
	_ =	swait.ge [sflag:s4], $0x0  }
0x19: {  	s7 =	sld [smem:$0x3F9E]  }
0x1a: {  	s8 =	sadd.s32 $0xFFFFE003, lr  }
0x1b: {  	s9 =	sadd.s32 $0xFFFFFEF7, lr;
	s5 =	simm.s32 $0xFFFFFFFF;
	p2 =	slt.u32 s8, $0xFFFFF086  }
0x1c: {  	p1 =	slt.u32 s9, $0xF7A;
	s5 =	simm.s32 @!p2 $0x0  }
0x1d: {  	s5 =	simm.s32 @p1 $0x1;
	p0 =	seq.s32 s7, s2  }
0x1e: {  	s7 =	smul.u32 @!p0 $0xF7A, s2;
	p2 =	seq.s32 @!p0 s5, $0x0  }
0x1f: {  	s9 =	smul.u32 $0xF7A, s1;
	s8 =	simm.s32 @!p0 $0x1BF5;
	p2 =	por !p2, p0  }
0x20: {  	[sflag:s8] =	ssyncset.s32 @!p0 $0xFFFFF086;
	s6 =	sadd.s32 @!p0 s3, s7;
	s7 =	simm.s32 @!p0 $0x108  }
0x21: {  	s3 =	sadd.s32 s3, s9;
	s6 =	sadd.s32 @!p0 $0x88, s6;
	s7 =	simm.s32 @p2 $0x1082  }
0x22: {  	[simem:s7], [sflag:s8] =	dma.local @!p0 [hbm:s6], $0xF7A  }
0x23: {  	s9 =	sor.u32 $0xD0000000, s2;
	s6 =	simm.s32 $0x108;
	_ =	swait.ge @!p0 [sflag:s8], $0x0  }
0x24: {  	s3 =	sadd.s32 $0x88, s3;
	s6 =	simm.s32 @!p1 $0x1082;
	[sflag:s4] =	ssyncset.s32 $0xFFFFF086  }
0x25: {  	[simem:s6], [sflag:s4] =	dma.local [hbm:s3], $0xF7A  }
0x26: {  	[smem:$0x3F9E] =	sst s1;
	(tag) =	ssettag s2;
	_ =	strace s9  }
0x27: {  	s1 =	sld [smem:$0x3FAE]  }
0x28: {  	s2 =	sld [smem:$0x3FAF]  }
0x29: {  	s4 =	sld [smem:$0x3FB1]  }
0x2a: {  	p0 =	seq.s32 s5, $0x0;
	s5 =	sld [smem:$0x3FB2]  }
0x2b: {  	s6 =	sld [smem:$0x3FB3]  }
0x2c: {  	s7 =	sld [smem:$0x3FB4]  }
0x2d: {  	s3 =	simm.s32 $0x108;
	s8 =	sld [smem:$0x3FB5]  }
0x2e: {  	s3 =	simm.s32 @!p0 $0x1082;
	s9 =	sld [smem:$0x3FB6]  }
0x2f: {  	lr =	sadd.s32 s0, s3;
	s0 =	sld [smem:$0x3FAD]  }
0x30: {  	s3 =	sld [smem:$0x3FB0]  }
0x31: {  	[smem:$0x3FB9] =	sst s10  }
0x32: {  	s10 =	sld [smem:$0x3FB7];
	_ =	sdelay $0x3  }
0x33: {  	p0 =	seq.s32 s10, $0x1;
	s10 =	sld [smem:$0x3FB9];
	_ =	sdelay $0x3  }
0x34: {  	[smem:$0x3FB9] =	sst s10  }
0x35: {  	s10 =	sld [smem:$0x3FB8];
	_ =	sdelay $0x3  }
0x36: {  	p1 =	seq.s32 s10, $0x1;
	s10 =	sld [smem:$0x3FB9];
	_ =	sdelay $0x3  }
0x37: {  	[smem:$0x3FB9] =	sst s10  }
0x38: {  	s10 =	sld [smem:$0x3FBA]  }
0x39: {  	_ = 	snop;
	(pc) =	sbr.ind lr, $3  }
0x3a: {  	_ = 	snop  }
0x3b: {  	_ = 	snop  }
0x3c: {  	p2 =	seq.s32 s10, $0x1;
	s10 =	sld [smem:$0x3FB9]  }
0x3d: {  	_ =	shalt  }
0x3e: {  	_ =	shalt  }
0x3f: {  	_ =	shalt  }
0x40: {  	_ =	shalt  }
0x41: {  	_ =	shalt  }
0x42: {  	_ =	shalt  }
0x43: {  	_ =	shalt  }
0x44: {  	_ =	shalt  }
0x45: {  	_ =	shalt  }
0x46: {  	_ =	shalt  }
0x47: {  	_ =	shalt  }
0x48: {  	_ =	shalt  }
0x49: {  	_ =	shalt  }
0x4a: {  	_ =	shalt  }
0x4b: {  	_ =	shalt  }
0x4c: {  	_ =	shalt  }
0x4d: {  	_ =	shalt  }
0x4e: {  	_ =	shalt  }
0x4f: {  	_ =	shalt  }
0x50: {  	_ =	shalt  }
0x51: {  	_ =	shalt  }
0x52: {  	_ =	shalt  }
0x53: {  	_ =	shalt  }
0x54: {  	_ =	shalt  }
0x55: {  	_ =	shalt  }
0x56: {  	_ =	shalt  }
0x57: {  	_ =	shalt  }
0x58: {  	_ =	shalt  }
0x59: {  	_ =	shalt  }
0x5a: {  	_ =	shalt  }
0x5b: {  	_ =	shalt  }
0x5c: {  	_ =	shalt  }
0x5d: {  	_ =	shalt  }
0x5e: {  	_ =	shalt  }
0x5f: {  	_ =	shalt  }
0x60: {  	_ =	shalt  }
0x61: {  	_ =	shalt  }
0x62: {  	_ =	shalt  }
0x63: {  	_ =	shalt  }
0x64: {  	_ =	shalt  }
0x65: {  	_ =	shalt  }
0x66: {  	_ =	shalt  }
0x67: {  	_ =	shalt  }
0x68: {  	_ =	shalt  }
0x69: {  	_ =	shalt  }
0x6a: {  	_ =	shalt  }
0x6b: {  	_ =	shalt  }
0x6c: {  	_ =	shalt  }
0x6d: {  	_ =	shalt  }
0x6e: {  	_ =	shalt  }
0x6f: {  	_ =	shalt  }
0x70: {  	_ =	shalt  }
0x71: {  	_ =	shalt  }
0x72: {  	_ =	shalt  }
0x73: {  	_ =	shalt  }
0x74: {  	_ =	shalt  }
0x75: {  	_ =	shalt  }
0x76: {  	_ =	shalt  }
0x77: {  	_ =	shalt  }
0x78: {  	_ =	shalt  }
0x79: {  	_ =	shalt  }
0x7a: {  	_ =	shalt  }
0x7b: {  	_ =	shalt  }
0x7c: {  	_ =	shalt  }
0x7d: {  	_ =	shalt  }
0x7e: {  	_ =	shalt  }
0x7f: {  	_ =	shalt  }
0x80: {  	_ =	shalt  }
0x81: {  	_ =	shalt  }
0x82: {  	_ =	shalt  }
0x83: {  	_ =	shalt  }
0x84: {  	_ =	shalt  }
0x85: {  	_ =	shalt  }
0x86: {  	_ =	shalt  }
0x87: {  	_ =	shalt  }
.Lfunc_end0:
.L_simem_size_0:
called_computation_lowered:
.L_overlay_start_0:
0x88: {  	s2 =	sld [smem:$0x3FD9]  }
0x89: {  	s3 =	sld [smem:$0x3FFE];
	_ =	sdelay $0x1  }
0x8a: {  	s1 =	srdreg.scid  }
0x8b: {  	s0 =	sand.u32 $0x1, s1  }
0x8c: {  	s17 =	sshll.u32 s0, $0xA;
	s2 =	sadd.s32 s3, s2  }
0x8d: {  	s2 =	sadd.s32 s2, s17  }
0x8e: {  	[smem:$0x3FC5] =	sst s2  }
0x8f: {  	_ = 	snop  }
0x90: {  	s2 =	sld [smem:$0x3FC8]  }
0x91: {  	s18 =	sld [smem:$0x3FD0];
	(tm) =	ssettm $0x1  }
0x92: {  	s4 =	sld [smem:$0x3FFB];
	_ =	sdelay $0x3  }
0x93: {  	_ =	strace s4  }
0x94: {  	s4 =	sld [smem:$0x3FFC];
	_ =	sdelay $0x3  }
0x95: {  	_ =	strace s4  }
0x96: {  	s4 =	sld [smem:$0x3FFD];
	_ =	sdelay $0x3  }
0x97: {  	_ =	strace s4  }
0x98: {  	_ =	strace $0x8FFFFFFF  }
0x99: {  	s19 =	sld [smem:$0x3FDB];
	_ =	sdelay $0x1  }
0x9a: {  	s5 =	simm.s32 $_scs_section_size  }
0x9b: {  	s6 =	simm.s32 $_size__tile_overlayer_lowered;
	s7 =	simm.s32 $_tile_overlayer_lowered  }
0x9c: {  	s22 =	simm.s32 $0x1BFF;
	s21 =	sshll.u32 s7, $0x1;
	s4 =	sadd.s32 s5, s19  }
0x9d: {  	s8 =	simm.s32 $0x0;
	s20 =	sshll.u32 s6, $0x1;
	s6 =	sadd.s32 s21, s4  }
0x9e: {  	[timem:s8], [sflag:s22] =	dma.local [hbm:s6], s20  }
0x9f: {  	_ =	swait.ge [sflag:s22], s20  }
0xa0: {  	s5 =	ssub.s32 $0x0, s20;
	[sflag:s22] =	ssyncset.done $0x0  }
0xa1: {  	[sflag:s22] =	ssyncadd.s32 s5;
	_ =	sdelay $0x1  }
0xa2: {  	s23 =	simm.s32 $0x1B8B  }
0xa3: {  	_ =	swait.ge [sflag:s23], $0x1  }
0xa4: {  	[sflag:s23] =	ssyncset.done $0x0  }
0xa5: {  	s25 =	simm.s32 $0x1B8E;
	s24 =	sld [smem:$0x3FFE];
	[sflag:s23] =	ssyncadd.s32 $0xFFFFFFFF  }
0xa6: {  	s26 =	simm.s32 $execute0_lowered;
	[smem:$0x3FD2] =	sst s25  }
0xa7: {  	s6 =	sshll.u32 s26, $0x1;
	_ =	strace $0x80000046;
	[dreg:$0x1] =	wrdreg $0xFFFFFFFF  }
0xa8: {  	s28 =	simm.s32 $_size_execute0_lowered;
	s4 =	sadd.s32 s4, s6;
	[dreg:$0x0] =	wrdreg $0x0  }
0xa9: {  	s6 =	sshll.u32 s28, $0x1;
	[dreg:$0x2] =	wrdreg s4  }
0xaa: {  	[dreg:$0x3] =	wrdreg s6  }
0xab: {  	[dreg:$0x4] =	wrdreg $0xC0  }
0xac: {  	_ =	task [dreg:s8], $0x5FFFF  }
0xad: {  	[dreg:$0x1] =	wrdreg $0xFFFFFFFF  }
0xae: {  	[dreg:$0x0] =	wrdreg $0x60  }
0xaf: {  	[dreg:$0x2] =	wrdreg s18  }
0xb0: {  	[dreg:$0x3] =	wrdreg s2  }
0xb1: {  	[dreg:$0x4] =	wrdreg s24  }
0xb2: {  	[dreg:$0x5] =	wrdreg $0x9  }
0xb3: {  	_ =	task.clear_ibuf [dreg:s8], $0x6FFFF;
	_ =	strace $0x90000046  }
0xb4: {  	s29 =	simm.s32 $0x9;
	_ =	strace $0x80000048  }
0xb5: {  	_ =	swait.ge [sflag:s29], $0x1  }
0xb6: {  	[sflag:s29] =	ssyncadd.s32 $0xFFFFFFFF  }
0xb7: {  	_ =	strace $0x90000048  }
0xb8: {  	_ =	sfence  }
0xb9: {  	s30 =	sld [smem:$0x0];
	_ =	sdelay $0x2  }
0xba: {  	s31 =	sshll.u32 s1, $0xD;
	s1 =	sshrl.u32 s1, $0x2  }
0xbb: {  	s3 =	sand.u32 $0x4000, s31;
	s1 =	sadd.s32 s1, s30  }
0xbc: {  	s0 =	sor.u32 s3, s0;
	s1 =	sshll.u32 s1, $0x11  }
0xbd: {  	s0 =	sor.u32 s1, s0  }
0xbe: {  	s0 =	sadd.s32 $0x8F2B, s0  }
0xbf: {  	[sflag:s0] =	ssyncadd.remote.s32 $0x1  }
0xc0: {  	_ =	sfence.sel $0xFFFF  }
0xc1: {  	[dreg:$0x0] =	wrdreg $0xFFFFFFFF;
	(pc) =	sbr.abs _section_cstart, $3  }
0xc2: {  	[dreg:$0x1] =	wrdreg $0xFFFFFFFF  }
0xc3: {  	_ =	task.clear_ibuf [dreg:s8], $0x2FFFF;
	_ =	strace $0x9FFFFFFF  }
0xc4: {  	(tm) =	ssettm $0x7FFFFFFF  }
0xc5: {  	_ =	shalt  }
tec
execute0_lowered:
.L_overlay_start_1:
0x0: {  	(tag) =	ssettag $0x1  }
0x1: {  	s4 =	rddreg [dreg:$0x0]  }
0x2: {  	s5 =	rddreg [dreg:$0x1]  }
0x3: {  	s6 =	rddreg [dreg:$0x2]  }
0x4: {  	s0 =	rddreg [dreg:$0x3];
	s2 =	simm.s32 $0x0;
	s3 =	srdreg.scid  }
0x5: {  	s1 =	stileid.u32;
	s10 =	simm.s32 $0x68;
	s11 =	simm.s32 $0xC80  }
0x6: {  	s12 =	simm.s32 $0x6A40;
	s13 =	simm.s32 $0x3;
	s14 =	simm.s32 $0x1  }
0x7: {  	s15 =	simm.s32 $0x2;
	s16 =	simm.s32 $0x6A50;
	s17 =	simm.s32 $0x1900  }
0x8: {  	s18 =	simm.s32 $0x0;
	[smem:$0x7FF] =	sst s2;
	s3 =	sand.u32 $0x1, s3  }
0x9: {  	v0 =	vlaneseq.u32;
	s7 =	sshll.u32 s1, $0x2;
	s8 =	sshll.u32 s3, $0x1;
	s9 =	ssub.s32 $0x2, s3  }
0xa: {  	v3 =	vmul.u32 $0x2, v0;
	_ =	strace $0x80000047;
	s7 =	sor.u32 s8, s7;
	s31 =	sshrl.u32 s9, $0x1  }
0xb: {  	s3 =	sadd.s32 $0x400, s6;
	s6 =	sadd.s32 s7, s6;
	s8 =	ssub.s32 s9, s31  }
0xc: {  	v0 =	vor.u32 $0x1, v3;
	s4 =	sadd.s32 s4, s7;
	s5 =	sadd.s32 s5, s7;
	s9 =	simm.s32 $0x200  }
0xd: {  	v1 =	vor.u32 $0x21, v3;
	v2 =	vor.u32 $0x41, v3;
	v3 =	vor.u32 $0x61, v3;
	s6 =	sadd.s32 $0x1000, s6;
	s7 =	smax.u32 s8, $0x1;
	s8 =	simm.s32 $0x10  }
.LBB2_1:
0xe: {  	[tilespmem:s2], [sflag:$0x1] =	stream.strided.gather [hbm4b:s4+s8], $0xC80, s9, s8, $0x38;
	[tilespmem:$0x76D0] =	vst v63  }
0xf: {  	_ = 	snop  }
0x10: {  	[tilespmem:s11], [sflag:$0x2] =	stream.strided.gather [hbm4b:s3+s8], $0xC80, s10, s8, $0x38;
	[tilespmem:$0x76D0] =	vst v63  }
0x11: {  	_ = 	snop  }
0x12: {  	[tilespmem:s12], [sflag:$0x3] =	stream.linear.gather [hbm4b:s5+s2], $0x10, $0x38;
	[tilespmem:$0x76D0] =	vst v63  }
0x13: {  	_ =	swait.ge [sflag:s13], $0x10  }
0x14: {  	[sflag:s13] =	ssyncset.done $0x0  }
0x15: {  	[sflag:s13] =	ssyncadd.s32 $0xFFFFFFF0  }
0x16: {  	v4 =	vld [tilespmem:$0x6A40];
	_ =	sdelay $0x4  }
0x17: {  	v4 =	vsub.f32 $0.0e+00, v4;
	_ =	sdelay $0x1  }
0x18: {  	v4 =	vmul.f32 $1.442695020e+00, v4;
	_ =	sdelay $0x1  }
0x19: {  	(erf) = vpow2.f32 v4;
	_ =	sdelay $0x8  }
0x1a: {  	v4 =	vpop (erf)  }
0x1b: {  	v4 =	vadd.f32 $1.000000000e+00, v4;
	_ =	sdelay $0x1  }
0x1c: {  	(erf) = vrcp.f32 v4;
	_ =	sdelay $0x8  }
0x1d: {  	v4 =	vpop (erf)  }
0x1e: {  	(xrf0) =	vmax.scan.msk.f32 $0xffff, v4;
	_ =	sdelay $0x5  }
0x1f: {  	v5, _, _ =	vpop (xrf0)  }
0x20: {  	(v2sf) =	vpush v5, $0xF;
	_ =	sdelay $0xe  }
0x21: {  	s19 =	spop (v2sf)  }
0x22: {  	_ =	swait.ge [sflag:s14], $0xC80;
	p0 =	slt.f32 s19, $5.000000070e-02  }
.Ltmp0:
0x23: {  	[sflag:s14] =	ssyncset.done $0x0;
	(pc) =	sbr.rel @!p0 .LBB2_5-.Ltmp0, $4  }
0x24: {  	[sflag:s14] =	ssyncadd.s32 $0xFFFFF380  }
0x25: {  	_ =	swait.ge [sflag:s15], $0xC80  }
0x26: {  	[sflag:s15] =	ssyncset.done $0x0  }
0x27: {  	s19 =	simm.s32 $0x0;
	[sflag:s15] =	ssyncadd.s32 $0xFFFFF380  }
0x28: {  	v5 =	vld [tilespmem:s19+$0xCD0]  }
0x29: {  	v6 =	vld [tilespmem:s19+$0xCC0];
	_ =	sdelay $0x1  }
0x2a: {  	v7 =	vld [tilespmem:s19+$0xCE0];
	_ =	sdelay $0x1  }
0x2b: {  	v8 =	vld [tilespmem:s19+$0xCB0];
	v5 =	vshll.u32 v5, $0x6  }
0x2c: {  	v6 =	vshll.u32 v6, $0x6;
	v10 =	vshra.s32 v5, $0x2  }
0x2d: {  	v5 =	vld [tilespmem:s19+$0xD10];
	v6 =	vshra.s32 v6, $0x2;
	(v2sf) =	vpush v10, $0x5  }
0x2e: {  	v7 =	vshll.u32 v7, $0x6;
	(v2sf) =	vpush v6, $0x1  }
0x2f: {  	v18 =	vshra.s32 v7, $0x2;
	(v2sf) =	vpush v10, $0x1  }
0x30: {  	v7 =	vshll.u32 v8, $0x6;
	(v2sf) =	vpush v18, $0x5  }
0x31: {  	v7 =	vshra.s32 v7, $0x2;
	(v2sf) =	vpush v10, $0x3  }
0x32: {  	v5 =	vshll.u32 v5, $0x6;
	(v2sf) =	vpush v7, $0x1  }
0x33: {  	v8 =	vld [tilespmem:s19+$0xCA0];
	v28 =	vshra.s32 v5, $0x2;
	(v2sf) =	vpush v6, $0x5  }
0x34: {  	(v2sf) =	vpush v28, $0x3  }
0x35: {  	v5 =	vld [tilespmem:s19+$0xC80];
	(v2sf) =	vpush v7, $0x5  }
0x36: {  	v9 =	vld [tilespmem:s19+$0xC90];
	(v2sf) =	vpush v28, $0x5  }
0x37: {  	(v2sf) =	vpush v28, $0x7  }
0x38: {  	v8 =	vshll.u32 v8, $0x6;
	(v2sf) =	vpush v6, $0x7  }
0x39: {  	v8 =	vshra.s32 v8, $0x2;
	(v2sf) =	vpush v6, $0x3  }
0x3a: {  	v5 =	vshll.u32 v5, $0x6;
	(v2sf) =	vpush v8, $0x1  }
0x3b: {  	v5 =	vshra.s32 v5, $0x2;
	v6 =	vshll.u32 v9, $0x6;
	(v2sf) =	vpush v8, $0x5  }
0x3c: {  	v15 =	vshra.s32 v6, $0x2;
	s22 =	spop (v2sf);
	(v2sf) =	vpush v5, $0x1  }
0x3d: {  	(v2sf) =	vpush v15, $0x5;
	s23 =	spop (v2sf)  }
0x3e: {  	(v2sf) =	vpush v15, $0x3;
	s24 =	spop (v2sf)  }
0x3f: {  	v9 =	vld [tilespmem:s19+$0xCF0];
	s20 =	spop (v2sf);
	(v2sf) =	vpush v8, $0x3  }
0x40: {  	v16 =	vld [tilespmem:s19+$0xD00];
	(v2sf) =	vpush v5, $0x5;
	s21 =	spop (v2sf)  }
0x41: {  	v17 =	vld [tilespmem:s22+$0x0];
	(v2sf) =	vpush v8, $0x7;
	s26 =	spop (v2sf)  }
0x42: {  	v12 =	vld [tilespmem:s23+$0x0];
	(v2sf) =	vpush v5, $0x7;
	s28 =	spop (v2sf)  }
0x43: {  	v20 =	vld [tilespmem:s24+$0x0];
	(v2sf) =	vpush v5, $0x3;
	s29 =	spop (v2sf)  }
0x44: {  	v6 =	vld [tilespmem:s26+$0x0];
	v5 =	vshll.u32 v9, $0x6;
	(v2sf) =	vpush v15, $0x7;
	s30 =	spop (v2sf)  }
0x45: {  	v14 =	vld [tilespmem:s28+$0x0];
	v8 =	vshra.s32 v5, $0x2;
	s22 =	spop (v2sf);
	(v2sf) =	vpush v18, $0x1  }
0x46: {  	v22 =	vld [tilespmem:s29+$0x0];
	(v2sf) =	vpush v8, $0x7;
	s31 =	spop (v2sf)  }
0x47: {  	v9 =	vld [tilespmem:s30+$0x0];
	s25 =	spop (v2sf);
	(v2sf) =	vpush v8, $0x3  }
0x48: {  	v23 =	vld [tilespmem:s31+$0x0];
	s24 =	spop (v2sf)  }
0x49: {  	(v2sf) =	vpush v8, $0x5;
	v13 =	vld [tilespmem:s24+$0x0];
	s26 =	spop (v2sf)  }
0x4a: {  	v5 =	vshll.u32 v16, $0x6;
	(v2sf) =	vpush v7, $0x7;
	v11 =	vld [tilespmem:s26+$0x0];
	s28 =	spop (v2sf)  }
0x4b: {  	v27 =	vshra.s32 v5, $0x2;
	v5 =	vmul.f32 v4, v4;
	(v2sf) =	vpush v15, $0x1;
	v24 =	vld [tilespmem:s28+$0x0];
	s29 =	spop (v2sf)  }
0x4c: {  	(v2sf) =	vpush v7, $0x3;
	v16 =	vld [tilespmem:s29+$0x0];
	s30 =	spop (v2sf)  }
0x4d: {  	(v2sf) =	vpush v27, $0x5;
	v7 =	vmul.f32 v23, v5;
	v23 =	vld [tilespmem:s25+$0x0];
	s31 =	spop (v2sf)  }
0x4e: {  	v15 =	vld [tilespmem:s30+$0x0];
	(v2sf) =	vpush v8, $0x1;
	s24 =	spop (v2sf)  }
0x4f: {  	v19 =	vld [tilespmem:s31+$0x0];
	(v2sf) =	vpush v27, $0x7;
	s26 =	spop (v2sf)  }
0x50: {  	(v2sf) =	vpush v18, $0x7;
	v29 =	vld [tilespmem:s26+$0x0];
	s28 =	spop (v2sf)  }
0x51: {  	(v2sf) =	vpush v27, $0x3;
	v30 =	vld [tilespmem:s28+$0x0];
	s29 =	spop (v2sf)  }
0x52: {  	v21 =	vld [tilespmem:s24+$0x0];
	(v2sf) =	vpush v10, $0x7;
	s24 =	spop (v2sf)  }
0x53: {  	v31 =	vmul.f32 v17, v5;
	v8 =	vadd.f32 v22, v7;
	v22 =	vld [tilespmem:s20+$0x0];
	(v2sf) =	vpush v18, $0x3;
	s30 =	spop (v2sf)  }
0x54: {  	v7 =	vimm.f32 $0.0e+00;
	v25 =	vld [tilespmem:s29+$0x0];
	(v2sf) =	vpush v27, $0x1;
	s31 =	spop (v2sf)  }
0x55: {  	v17 =	vmul.f32 v24, v5;
	v8 =	vmul.f32 v8, v4;
	v10 =	vadd.f32 v20, v31;
	v26 =	vld [tilespmem:s30+$0x0];
	s25 =	spop (v2sf)  }
0x56: {  	s20 =	simm.s32 $0x280;
	(v2sf) =	vpush v28, $0x1;
	v24 =	vmul.f32 v29, v5;
	v20 =	vld [tilespmem:s31+$0x0];
	v27 =	vmul.f32 v30, v5;
	s26 =	spop (v2sf)  }
.LBB2_3:
0x57: {  	p0 =	seq.s32 s20, $0x2F80  }
0x58: {  	v18 =	vld [tilespmem:s24+$0x0];
	s28 =	spop (v2sf);
	s23 =	smov.u32 s20;
	s20 =	sadd.s32 $0x280, s20  }
0x59: {  	v28 =	vld [tilespmem:s25+$0x0];
	v21 =	vadd.f32 v21, v27;
	s24 =	spop (v2sf)  }
0x5a: {  	v25 =	vmul.f32 v25, v5;
	v14 =	vmul.f32 v14, v5;
	v27 =	vld [tilespmem:s26+$0x0];
	s25 =	spop (v2sf)  }
0x5b: {  	v23 =	vmul.f32 v23, v5;
	v26 =	vmul.f32 v26, v5;
	v29 =	vld [tilespmem:s24+$0x0];
	s26 =	spop (v2sf)  }
0x5c: {  	v12 =	vadd.f32 v12, v14;
	v30 =	vld [tilespmem:s25+$0x0];
	s24 =	spop (v2sf)  }
0x5d: {  	v13 =	vadd.f32 v13, v23;
	v14 =	vld [tilespmem:s28+$0x0];
	v18 =	vadd.f32 v18, v25;
	s25 =	spop (v2sf)  }
0x5e: {  	v22 =	vmul.f32 v22, v5;
	v19 =	vadd.f32 v19, v26;
	v23 =	vld [tilespmem:s26+$0x0];
	s26 =	spop (v2sf)  }
0x5f: {  	v16 =	vadd.f32 v16, v24;
	v13 =	vmul.f32 v13, v4;
	v25 =	vld [tilespmem:s26+$0x0];
	v18 =	vmul.f32 v18, v4;
	s26 =	spop (v2sf)  }
0x60: {  	v15 =	vmul.f32 v15, v5;
	v26 =	vmul.f32 v28, v5;
	v24 =	vld [tilespmem:s26+$0x0];
	s26 =	spop (v2sf)  }
0x61: {  	v20 =	vadd.f32 v20, v22;
	v28 =	vmul.f32 v29, v5;
	v29 =	vld [tilespmem:s26+$0x0];
	v16 =	vadd.f32 v16, v18;
	s26 =	spop (v2sf)  }
0x62: {  	v9 =	vmul.f32 v9, v5;
	v12 =	vadd.f32 v12, v13;
	v22 =	vadd.f32 v27, v26;
	v18 =	vld [tilespmem:s26+$0x0];
	s26 =	spop (v2sf)  }
0x63: {  	v19 =	vmul.f32 v19, v4;
	v15 =	vadd.f32 v30, v15;
	v13 =	vadd.f32 v23, v28;
	v23 =	vld [tilespmem:s21+$0x0];
	s21 =	spop (v2sf)  }
0x64: {  	v11 =	vadd.f32 v11, v17;
	v7 =	vadd.f32 v16, v7;
	v25 =	vmul.f32 v25, v5;
	v17 =	vld [tilespmem:s21+$0x0]  }
0x65: {  	v6 =	vadd.f32 v6, v9;
	v9 =	vadd.f32 v15, v19;
	v15 =	vmul.f32 v21, v4;
	v26 =	vld [tilespmem:s22+$0x0]  }
0x66: {  	v14 =	vmul.f32 v14, v5;
	v19 =	vld [tilespmem:s26+$0x0];
	v21 =	vadd.f32 v29, v25;
	s21 =	spop (v2sf)  }
0x67: {  	v7 =	vadd.f32 v9, v7;
	v11 =	vadd.f32 v11, v15;
	v13 =	vmul.f32 v13, v4;
	v25 =	vld [tilespmem:s21+$0x0]  }
0x68: {  	v15 =	vmul.f32 v18, v5;
	v18 =	vld [tilespmem:s25+$0x0];
	v21 =	vmul.f32 v21, v4  }
0x69: {  	v24 =	vmul.f32 v24, v5;
	v7 =	vadd.f32 v11, v7;
	v6 =	vadd.f32 v6, v13;
	v27 =	vld [tilespmem:s24+$0x0]  }
0x6a: {  	s21 =	sshra.s32 s23, $0x2;
	v13 =	vadd.f32 v23, v15;
	v15 =	vmul.f32 v26, v5;
	[tilespmem:s19+$0x6A50] =	vst v16  }
0x6b: {  	v16 =	vld [tilespmem:s21+$0xCA0];
	v19 =	vadd.f32 v19, v24;
	[tilespmem:s19+$0x6A80] =	vst v6;
	v6 =	vadd.f32 v6, v7  }
0x6c: {  	v7 =	vld [tilespmem:s21+$0xCD0];
	v15 =	vadd.f32 v25, v15;
	[tilespmem:s19+$0x6A60] =	vst v9;
	v9 =	vmul.f32 v13, v4  }
0x6d: {  	v13 =	vld [tilespmem:s21+$0xC90];
	[tilespmem:s19+$0x6A70] =	vst v11;
	v6 =	vadd.f32 v12, v6;
	v11 =	vmul.f32 v19, v4  }
0x6e: {  	v14 =	vadd.f32 v18, v14;
	v19 =	vld [tilespmem:s21+$0xCB0];
	v18 =	vmul.f32 v27, v5;
	[tilespmem:s19+$0x6A90] =	vst v12;
	v8 =	vadd.f32 v15, v8  }
0x6f: {  	v9 =	vadd.f32 v10, v9;
	v12 =	vld [tilespmem:s21+$0xCC0];
	v10 =	vadd.f32 v20, v11;
	v11 =	vmul.f32 v22, v4  }
0x70: {  	v15 =	vld [tilespmem:s21+$0xC80];
	v17 =	vadd.f32 v17, v18;
	[tilespmem:s19+$0x6AE0] =	vst v8  }
0x71: {  	v6 =	vadd.f32 v9, v6;
	v18 =	vld [tilespmem:s21+$0xCF0];
	v7 =	vshll.u32 v7, $0x6;
	[tilespmem:s19+$0x6AA0] =	vst v9;
	v9 =	vadd.f32 v14, v11  }
0x72: {  	v14 =	vshll.u32 v16, $0x6;
	v11 =	vld [tilespmem:s21+$0xCE0];
	v13 =	vshll.u32 v13, $0x6;
	[tilespmem:s19+$0x6AB0] =	vst v10;
	v16 =	vadd.f32 v17, v21  }
0x73: {  	v14 =	vshra.s32 v14, $0x2;
	v6 =	vadd.f32 v10, v6;
	v17 =	vld [tilespmem:s21+$0xD00];
	v19 =	vshll.u32 v19, $0x6;
	[tilespmem:s19+$0x6AC0] =	vst v9  }
0x74: {  	v10 =	vshra.s32 v7, $0x2;
	v20 =	vld [tilespmem:s21+$0xD10];
	v19 =	vshra.s32 v19, $0x2;
	v12 =	vshll.u32 v12, $0x6;
	[tilespmem:s19+$0x6AD0] =	vst v16;
	s19 =	smov.u32 s21  }
0x75: {  	v6 =	vadd.f32 v9, v6;
	v7 =	vshll.u32 v15, $0x6;
	v12 =	vshra.s32 v12, $0x2  }
0x76: {  	v9 =	vshra.s32 v7, $0x2;
	v7 =	vshll.u32 v18, $0x6;
	(v2sf) =	vpush v10, $0x5  }
0x77: {  	v6 =	vadd.f32 v16, v6;
	v11 =	vshll.u32 v11, $0x6;
	v21 =	vshra.s32 v7, $0x2  }
0x78: {  	v22 =	vshra.s32 v11, $0x2;
	v7 =	vshll.u32 v17, $0x6;
	(v2sf) =	vpush v12, $0x1  }
0x79: {  	v24 =	vshra.s32 v7, $0x2;
	(v2sf) =	vpush v10, $0x1;
	v7 =	vadd.f32 v8, v6  }
0x7a: {  	v6 =	vshll.u32 v20, $0x6;
	(v2sf) =	vpush v22, $0x5  }
0x7b: {  	v8 =	vshra.s32 v13, $0x2;
	v18 =	vshra.s32 v6, $0x2;
	(v2sf) =	vpush v10, $0x3  }
0x7c: {  	(v2sf) =	vpush v19, $0x1  }
0x7d: {  	(v2sf) =	vpush v12, $0x5  }
0x7e: {  	(v2sf) =	vpush v18, $0x3  }
0x7f: {  	(v2sf) =	vpush v19, $0x5  }
0x80: {  	(v2sf) =	vpush v18, $0x5  }
0x81: {  	(v2sf) =	vpush v18, $0x7  }
0x82: {  	(v2sf) =	vpush v12, $0x7  }
0x83: {  	(v2sf) =	vpush v12, $0x3  }
0x84: {  	(v2sf) =	vpush v14, $0x1  }
0x85: {  	(v2sf) =	vpush v14, $0x5;
	s21 =	spop (v2sf)  }
0x86: {  	(v2sf) =	vpush v9, $0x1  }
0x87: {  	(v2sf) =	vpush v8, $0x5;
	s22 =	spop (v2sf)  }
0x88: {  	v11 =	vld [tilespmem:s21+$0x0];
	(v2sf) =	vpush v8, $0x3;
	s21 =	spop (v2sf)  }
0x89: {  	v20 =	vld [tilespmem:s21+$0x0];
	s23 =	spop (v2sf);
	(v2sf) =	vpush v14, $0x3  }
0x8a: {  	(v2sf) =	vpush v9, $0x5;
	s21 =	spop (v2sf)  }
0x8b: {  	(v2sf) =	vpush v14, $0x7;
	s24 =	spop (v2sf)  }
0x8c: {  	(v2sf) =	vpush v9, $0x7;
	s25 =	spop (v2sf)  }
0x8d: {  	v6 =	vld [tilespmem:s24+$0x0];
	v27 =	vmul.f32 v11, v5;
	(v2sf) =	vpush v9, $0x3;
	s24 =	spop (v2sf)  }
0x8e: {  	v12 =	vld [tilespmem:s22+$0x0];
	(v2sf) =	vpush v8, $0x7;
	s26 =	spop (v2sf)  }
0x8f: {  	v17 =	vld [tilespmem:s24+$0x0];
	s22 =	spop (v2sf);
	(v2sf) =	vpush v22, $0x1  }
0x90: {  	v14 =	vld [tilespmem:s25+$0x0];
	(v2sf) =	vpush v21, $0x7;
	s24 =	spop (v2sf)  }
0x91: {  	v15 =	vld [tilespmem:s24+$0x0];
	s25 =	spop (v2sf);
	(v2sf) =	vpush v21, $0x3  }
0x92: {  	v9 =	vld [tilespmem:s26+$0x0];
	(v2sf) =	vpush v21, $0x5;
	s24 =	spop (v2sf)  }
0x93: {  	v13 =	vld [tilespmem:s24+$0x0];
	(v2sf) =	vpush v19, $0x7;
	s24 =	spop (v2sf)  }
0x94: {  	v11 =	vld [tilespmem:s24+$0x0];
	s24 =	spop (v2sf);
	(v2sf) =	vpush v8, $0x1  }
0x95: {  	v8 =	vld [tilespmem:s24+$0x0];
	(v2sf) =	vpush v19, $0x3;
	s24 =	spop (v2sf)  }
0x96: {  	v23 =	vmul.f32 v15, v5;
	v16 =	vld [tilespmem:s24+$0x0];
	s24 =	spop (v2sf);
	(v2sf) =	vpush v24, $0x5  }
0x97: {  	v15 =	vld [tilespmem:s24+$0x0];
	s24 =	spop (v2sf);
	(v2sf) =	vpush v21, $0x1  }
0x98: {  	v19 =	vld [tilespmem:s24+$0x0];
	v23 =	vadd.f32 v17, v23;
	(v2sf) =	vpush v24, $0x7;
	s24 =	spop (v2sf)  }
0x99: {  	v21 =	vld [tilespmem:s24+$0x0];
	(v2sf) =	vpush v22, $0x7;
	s24 =	spop (v2sf)  }
0x9a: {  	v28 =	vld [tilespmem:s24+$0x0];
	v17 =	vmul.f32 v8, v5;
	v8 =	vmul.f32 v23, v4;
	s24 =	spop (v2sf);
	(v2sf) =	vpush v24, $0x3  }
0x9b: {  	v29 =	vld [tilespmem:s24+$0x0];
	s24 =	spop (v2sf);
	(v2sf) =	vpush v10, $0x7  }
.Ltmp1:
0x9c: {  	v25 =	vld [tilespmem:s24+$0x0];
	s24 =	spop (v2sf);
	(v2sf) =	vpush v22, $0x3;
	(pc) =	sbr.rel @!p0 .LBB2_3-.Ltmp1, $4  }
0x9d: {  	v23 =	vld [tilespmem:s25+$0x0];
	s25 =	spop (v2sf);
	(v2sf) =	vpush v24, $0x1  }
0x9e: {  	v10 =	vadd.f32 v20, v27;
	v26 =	vld [tilespmem:s25+$0x0];
	s26 =	spop (v2sf)  }
0x9f: {  	v22 =	vld [tilespmem:s23+$0x0];
	v24 =	vmul.f32 v28, v5;
	s25 =	spop (v2sf)  }
0xa0: {  	v27 =	vmul.f32 v29, v5;
	v20 =	vld [tilespmem:s26+$0x0];
	s26 =	spop (v2sf);
	(v2sf) =	vpush v18, $0x1  }
0xa1: {  	s20 =	spop (v2sf)  }
0xa2: {  	s23 =	spop (v2sf)  }
0xa3: {  	v18 =	vld [tilespmem:s24+$0x0];
	s28 =	spop (v2sf)  }
0xa4: {  	v28 =	vld [tilespmem:s25+$0x0];
	s29 =	spop (v2sf)  }
0xa5: {  	v30 =	vld [tilespmem:s23+$0x0];
	s23 =	spop (v2sf)  }
0xa6: {  	v29 =	vld [tilespmem:s26+$0x0];
	v25 =	vmul.f32 v25, v5;
	s24 =	spop (v2sf)  }
0xa7: {  	v31 =	vld [tilespmem:s28+$0x0];
	s30 =	spop (v2sf)  }
0xa8: {  	v14 =	vmul.f32 v14, v5;
	v26 =	vmul.f32 v26, v5;
	v38 =	vld [tilespmem:s29+$0x0];
	v18 =	vadd.f32 v18, v25;
	s31 =	spop (v2sf)  }
0xa9: {  	v16 =	vadd.f32 v16, v24;
	v15 =	vmul.f32 v15, v5;
	v11 =	vadd.f32 v11, v17;
	v45 =	vld [tilespmem:s21+$0x0];
	s26 =	spop (v2sf)  }
0xaa: {  	v9 =	vmul.f32 v9, v5;
	v48 =	vld [tilespmem:s22+$0x0];
	v19 =	vadd.f32 v19, v26;
	v18 =	vmul.f32 v18, v4;
	s28 =	spop (v2sf)  }
0xab: {  	v21 =	vadd.f32 v21, v27;
	v12 =	vadd.f32 v12, v14;
	v43 =	vmul.f32 v30, v5;
	v41 =	vld [tilespmem:s28+$0x0]  }
0xac: {  	v37 =	vld [tilespmem:s20+$0x0];
	v42 =	vmul.f32 v19, v4;
	v15 =	vadd.f32 v31, v15;
	v16 =	vadd.f32 v16, v18  }
0xad: {  	v23 =	vmul.f32 v23, v5;
	v6 =	vadd.f32 v6, v9;
	v40 =	vld [tilespmem:s31+$0x0];
	v19 =	vadd.f32 v38, v43  }
0xae: {  	v46 =	vmul.f32 v21, v4;
	v55 =	vld [tilespmem:s23+$0x0];
	s29 =	spop (v2sf);
	v15 =	vadd.f32 v15, v42;
	v7 =	vadd.f32 v16, v7  }
0xaf: {  	v13 =	vadd.f32 v13, v23;
	v47 =	vmul.f32 v22, v5;
	v49 =	vld [tilespmem:s29+$0x0];
	v51 =	vmul.f32 v19, v4  }
0xb0: {  	v11 =	vadd.f32 v11, v46;
	v39 =	vld [tilespmem:s30+$0x0];
	v7 =	vadd.f32 v15, v7;
	v52 =	vmul.f32 v41, v5  }
0xb1: {  	v13 =	vmul.f32 v13, v4;
	v53 =	vmul.f32 v28, v5;
	v54 =	vld [tilespmem:s24+$0x0];
	v6 =	vadd.f32 v6, v51  }
0xb2: {  	v44 =	vld [tilespmem:s26+$0x0];
	v14 =	vmul.f32 v40, v5;
	v7 =	vadd.f32 v11, v7;
	v17 =	vadd.f32 v45, v52  }
0xb3: {  	v20 =	vadd.f32 v20, v47;
	v22 =	vmul.f32 v48, v5;
	v12 =	vadd.f32 v12, v13;
	s30 =	spop (v2sf)  }
0xb4: {  	v58 =	vld [tilespmem:s30+$0x0];
	v14 =	vadd.f32 v49, v14;
	v7 =	vadd.f32 v6, v7;
	v17 =	vmul.f32 v17, v4  }
0xb5: {  	v59 =	vmul.f32 v37, v5;
	v56 =	vadd.f32 v29, v53;
	v57 =	vmul.f32 v39, v5  }
0xb6: {  	s31 =	spop (v2sf);
	v14 =	vmul.f32 v14, v4;
	v7 =	vadd.f32 v12, v7;
	v10 =	vadd.f32 v10, v17  }
0xb7: {  	v60 =	vadd.f32 v54, v59;
	v13 =	vadd.f32 v44, v57;
	v50 =	vld [tilespmem:s31+$0x0];
	[tilespmem:s19+$0x6A50] =	vst v16;
	v5 =	vmul.f32 v55, v5  }
0xb8: {  	v61 =	vmul.f32 v56, v4;
	[tilespmem:s19+$0x6A80] =	vst v6;
	v6 =	vadd.f32 v20, v14;
	v7 =	vadd.f32 v10, v7  }
0xb9: {  	[tilespmem:s19+$0x6A60] =	vst v15;
	v62 =	vmul.f32 v13, v4;
	v5 =	vadd.f32 v58, v5  }
0xba: {  	v63 =	vadd.f32 v60, v61;
	[tilespmem:s19+$0x6A70] =	vst v11;
	v7 =	vadd.f32 v6, v7  }
0xbb: {  	[tilespmem:s19+$0x6A90] =	vst v12;
	v5 =	vadd.f32 v5, v62  }
.Ltmp2:
0xbc: {  	[tilespmem:s19+$0x6AC0] =	vst v63;
	v9 =	vadd.f32 v50, v22;
	v7 =	vadd.f32 v63, v7;
	(pc) =	sbr.rel .LBB2_8-.Ltmp2, $4  }
0xbd: {  	[tilespmem:s19+$0x6AD0] =	vst v5  }
0xbe: {  	v8 =	vadd.f32 v9, v8;
	[tilespmem:s19+$0x6AB0] =	vst v6;
	v6 =	vadd.f32 v5, v7  }
0xbf: {  	[tilespmem:s19+$0x6AA0] =	vst v10  }
0xc0: {  	[tilespmem:s19+$0x6AE0] =	vst v8;
	v5 =	vadd.f32 v8, v6  }
.LBB2_5:
0xc1: {  	v5 =	vmov s19  }
0xc2: {  	v5 =	vmul.u32 $0x68, v5;
	_ =	sdelay $0x1  }
0xc3: {  	v5 =	vbroadcast v5, $0x0;
	_ =	sdelay $0x1  }
0xc4: {  	v6 =	vadd.s32 v3, v5  }
0xc5: {  	[tilespmem:s17], [sflag:$0x3] =	stream.linear.gather [hbm4b:s3+s19], $0x5140, $0x38;
	[tilespmem:$0x76D0] =	vst v63  }
0xc6: {  	_ =	swait.ge [sflag:s13], $0x5140  }
0xc7: {  	[sflag:s13] =	ssyncset.done $0x0  }
0xc8: {  	[sflag:s13] =	ssyncadd.s32 $0xFFFFAEC0  }
0xc9: {  	v6 =	vld.idx.msk [tilespmem:v6+s17+$0x0], $0xffff  }
0xca: {  	v7 =	vadd.s32 v2, v5;
	_ =	sdelay $0x3  }
0xcb: {  	v6 =	vshll.u32 v6, $0x6  }
0xcc: {  	v7 =	vld.idx.msk [tilespmem:v7+s17+$0x0], $0xffff;
	v6 =	vshra.s32 v6, $0x2  }
0xcd: {  	(v2sf) =	vpush v6, $0x1;
	_ =	sdelay $0x1  }
0xce: {  	(v2sf) =	vpush v6, $0x0;
	_ =	sdelay $0x1  }
0xcf: {  	v6 =	vshll.u32 v7, $0x6  }
0xd0: {  	v6 =	vshra.s32 v6, $0x2  }
0xd1: {  	(v2sf) =	vpush v6, $0xF;
	_ =	sdelay $0x3  }
0xd2: {  	(v2sf) =	vpush v6, $0xE;
	_ =	sdelay $0x3  }
0xd3: {  	(v2sf) =	vpush v6, $0xD  }
0xd4: {  	s28 =	spop (v2sf)  }
0xd5: {  	v7 =	vld [tilespmem:s28+$0x0]  }
0xd6: {  	s29 =	spop (v2sf)  }
0xd7: {  	(v2sf) =	vpush v6, $0xC;
	v8 =	vld [tilespmem:s29+$0x0];
	_ =	sdelay $0x2  }
0xd8: {  	s30 =	spop (v2sf);
	v7 =	vmul.f32 v7, v4  }
0xd9: {  	(v2sf) =	vpush v6, $0xB;
	v9 =	vld [tilespmem:s30+$0x0]  }
0xda: {  	v7 =	vadd.f32 v8, v7;
	_ =	sdelay $0x1  }
0xdb: {  	s31 =	spop (v2sf);
	v7 =	vmul.f32 v7, v4  }
0xdc: {  	(v2sf) =	vpush v6, $0xA;
	v8 =	vld [tilespmem:s31+$0x0]  }
0xdd: {  	v7 =	vadd.f32 v7, v9;
	_ =	sdelay $0x1  }
0xde: {  	s20 =	spop (v2sf);
	v7 =	vmul.f32 v7, v4  }
0xdf: {  	(v2sf) =	vpush v6, $0x9;
	v9 =	vld [tilespmem:s20+$0x0]  }
0xe0: {  	v7 =	vadd.f32 v7, v8;
	_ =	sdelay $0x1  }
0xe1: {  	s21 =	spop (v2sf);
	v7 =	vmul.f32 v7, v4  }
0xe2: {  	(v2sf) =	vpush v6, $0x8;
	v8 =	vld [tilespmem:s21+$0x0]  }
0xe3: {  	v7 =	vadd.f32 v7, v9;
	_ =	sdelay $0x1  }
0xe4: {  	s22 =	spop (v2sf);
	v7 =	vmul.f32 v7, v4  }
0xe5: {  	(v2sf) =	vpush v6, $0x7;
	v9 =	vld [tilespmem:s22+$0x0]  }
0xe6: {  	v7 =	vadd.f32 v7, v8;
	_ =	sdelay $0x1  }
0xe7: {  	s23 =	spop (v2sf);
	v7 =	vmul.f32 v7, v4  }
0xe8: {  	(v2sf) =	vpush v6, $0x6;
	v8 =	vld [tilespmem:s23+$0x0]  }
0xe9: {  	v7 =	vadd.f32 v7, v9;
	_ =	sdelay $0x1  }
0xea: {  	s24 =	spop (v2sf);
	v7 =	vmul.f32 v7, v4  }
0xeb: {  	(v2sf) =	vpush v6, $0x5;
	v9 =	vld [tilespmem:s24+$0x0]  }
0xec: {  	v7 =	vadd.f32 v7, v8;
	_ =	sdelay $0x1  }
0xed: {  	s25 =	spop (v2sf);
	v7 =	vmul.f32 v7, v4  }
0xee: {  	(v2sf) =	vpush v6, $0x4;
	v8 =	vld [tilespmem:s25+$0x0]  }
0xef: {  	v7 =	vadd.f32 v7, v9;
	_ =	sdelay $0x1  }
0xf0: {  	s26 =	spop (v2sf);
	v7 =	vmul.f32 v7, v4  }
0xf1: {  	(v2sf) =	vpush v6, $0x3;
	v9 =	vld [tilespmem:s26+$0x0]  }
0xf2: {  	v7 =	vadd.f32 v7, v8;
	_ =	sdelay $0x1  }
0xf3: {  	s28 =	spop (v2sf);
	v7 =	vmul.f32 v7, v4  }
0xf4: {  	(v2sf) =	vpush v6, $0x2;
	v10 =	vld [tilespmem:s28+$0x0];
	v8 =	vadd.s32 v1, v5  }
0xf5: {  	v7 =	vadd.f32 v7, v9;
	_ =	sdelay $0x1  }
0xf6: {  	s29 =	spop (v2sf);
	v7 =	vmul.f32 v7, v4  }
0xf7: {  	(v2sf) =	vpush v6, $0x1;
	v9 =	vld [tilespmem:s29+$0x0]  }
0xf8: {  	v8 =	vld.idx.msk [tilespmem:v8+s17+$0x0], $0xffff;
	v7 =	vadd.f32 v7, v10;
	_ =	sdelay $0x1  }
0xf9: {  	s30 =	spop (v2sf);
	v7 =	vmul.f32 v7, v4  }
0xfa: {  	(v2sf) =	vpush v6, $0x0;
	v10 =	vld [tilespmem:s30+$0x0]  }
0xfb: {  	v6 =	vadd.f32 v7, v9  }
0xfc: {  	v7 =	vshll.u32 v8, $0x6  }
0xfd: {  	s31 =	spop (v2sf);
	v7 =	vshra.s32 v7, $0x2;
	v6 =	vmul.f32 v6, v4  }
0xfe: {  	v8 =	vld [tilespmem:s31+$0x0];
	(v2sf) =	vpush v7, $0xF  }
0xff: {  	v6 =	vadd.f32 v6, v10;
	_ =	sdelay $0x1  }
0x100: {  	s20 =	spop (v2sf);
	v6 =	vmul.f32 v6, v4  }
0x101: {  	v9 =	vld [tilespmem:s20+$0x0];
	(v2sf) =	vpush v7, $0xE  }
0x102: {  	v6 =	vadd.f32 v6, v8;
	_ =	sdelay $0x1  }
0x103: {  	s21 =	spop (v2sf);
	v6 =	vmul.f32 v6, v4  }
0x104: {  	(v2sf) =	vpush v7, $0xD;
	v8 =	vld [tilespmem:s21+$0x0]  }
0x105: {  	v6 =	vadd.f32 v6, v9;
	_ =	sdelay $0x1  }
0x106: {  	s22 =	spop (v2sf);
	v6 =	vmul.f32 v6, v4  }
0x107: {  	(v2sf) =	vpush v7, $0xC;
	v9 =	vld [tilespmem:s22+$0x0]  }
0x108: {  	v6 =	vadd.f32 v6, v8;
	_ =	sdelay $0x1  }
0x109: {  	s23 =	spop (v2sf);
	v6 =	vmul.f32 v6, v4  }
0x10a: {  	(v2sf) =	vpush v7, $0xB;
	v8 =	vld [tilespmem:s23+$0x0]  }
0x10b: {  	v6 =	vadd.f32 v6, v9;
	_ =	sdelay $0x1  }
0x10c: {  	s24 =	spop (v2sf);
	v6 =	vmul.f32 v6, v4  }
0x10d: {  	(v2sf) =	vpush v7, $0xA;
	v9 =	vld [tilespmem:s24+$0x0]  }
0x10e: {  	v6 =	vadd.f32 v6, v8;
	_ =	sdelay $0x1  }
0x10f: {  	s25 =	spop (v2sf);
	v6 =	vmul.f32 v6, v4  }
0x110: {  	(v2sf) =	vpush v7, $0x9;
	v8 =	vld [tilespmem:s25+$0x0]  }
0x111: {  	v6 =	vadd.f32 v6, v9;
	_ =	sdelay $0x1  }
0x112: {  	s26 =	spop (v2sf);
	v6 =	vmul.f32 v6, v4  }
0x113: {  	(v2sf) =	vpush v7, $0x8;
	v9 =	vld [tilespmem:s26+$0x0]  }
0x114: {  	v6 =	vadd.f32 v6, v8;
	_ =	sdelay $0x1  }
0x115: {  	s28 =	spop (v2sf);
	v6 =	vmul.f32 v6, v4  }
0x116: {  	(v2sf) =	vpush v7, $0x7;
	v8 =	vld [tilespmem:s28+$0x0]  }
0x117: {  	v6 =	vadd.f32 v6, v9;
	_ =	sdelay $0x1  }
0x118: {  	s29 =	spop (v2sf);
	v6 =	vmul.f32 v6, v4  }
0x119: {  	(v2sf) =	vpush v7, $0x6;
	v9 =	vld [tilespmem:s29+$0x0]  }
0x11a: {  	v6 =	vadd.f32 v6, v8;
	_ =	sdelay $0x1  }
0x11b: {  	s30 =	spop (v2sf);
	v6 =	vmul.f32 v6, v4  }
0x11c: {  	(v2sf) =	vpush v7, $0x5;
	v8 =	vld [tilespmem:s30+$0x0]  }
0x11d: {  	v6 =	vadd.f32 v6, v9;
	_ =	sdelay $0x1  }
0x11e: {  	s31 =	spop (v2sf);
	v6 =	vmul.f32 v6, v4  }
0x11f: {  	(v2sf) =	vpush v7, $0x4;
	v9 =	vld [tilespmem:s31+$0x0]  }
0x120: {  	v6 =	vadd.f32 v6, v8;
	_ =	sdelay $0x1  }
0x121: {  	s20 =	spop (v2sf);
	v6 =	vmul.f32 v6, v4  }
0x122: {  	(v2sf) =	vpush v7, $0x3;
	v8 =	vld [tilespmem:s20+$0x0]  }
0x123: {  	v6 =	vadd.f32 v6, v9;
	_ =	sdelay $0x1  }
0x124: {  	s21 =	spop (v2sf);
	v6 =	vmul.f32 v6, v4  }
0x125: {  	v5 =	vadd.s32 v0, v5;
	(v2sf) =	vpush v7, $0x2;
	v9 =	vld [tilespmem:s21+$0x0]  }
0x126: {  	v6 =	vadd.f32 v6, v8;
	_ =	sdelay $0x1  }
0x127: {  	s22 =	spop (v2sf);
	v6 =	vmul.f32 v6, v4  }
0x128: {  	(v2sf) =	vpush v7, $0x1;
	v8 =	vld [tilespmem:s22+$0x0]  }
0x129: {  	v5 =	vld.idx.msk [tilespmem:v5+s17+$0x0], $0xffff;
	v6 =	vadd.f32 v6, v9;
	_ =	sdelay $0x1  }
0x12a: {  	s23 =	spop (v2sf);
	v6 =	vmul.f32 v6, v4  }
0x12b: {  	(v2sf) =	vpush v7, $0x0;
	v9 =	vld [tilespmem:s23+$0x0]  }
0x12c: {  	v6 =	vadd.f32 v6, v8  }
0x12d: {  	v5 =	vshll.u32 v5, $0x6  }
0x12e: {  	v5 =	vshra.s32 v5, $0x2;
	s24 =	spop (v2sf);
	v6 =	vmul.f32 v6, v4  }
0x12f: {  	(v2sf) =	vpush v5, $0xF;
	v7 =	vld [tilespmem:s24+$0x0]  }
0x130: {  	v6 =	vadd.f32 v6, v9;
	_ =	sdelay $0x1  }
0x131: {  	s25 =	spop (v2sf);
	v6 =	vmul.f32 v6, v4  }
0x132: {  	(v2sf) =	vpush v5, $0xE;
	v8 =	vld [tilespmem:s25+$0x0]  }
0x133: {  	v6 =	vadd.f32 v6, v7;
	_ =	sdelay $0x1  }
0x134: {  	s26 =	spop (v2sf);
	v6 =	vmul.f32 v6, v4  }
0x135: {  	(v2sf) =	vpush v5, $0xD;
	v7 =	vld [tilespmem:s26+$0x0]  }
0x136: {  	v6 =	vadd.f32 v6, v8;
	_ =	sdelay $0x1  }
0x137: {  	s28 =	spop (v2sf);
	v6 =	vmul.f32 v6, v4  }
0x138: {  	(v2sf) =	vpush v5, $0xC;
	v8 =	vld [tilespmem:s28+$0x0]  }
0x139: {  	v6 =	vadd.f32 v6, v7;
	_ =	sdelay $0x1  }
0x13a: {  	s29 =	spop (v2sf);
	v6 =	vmul.f32 v6, v4  }
0x13b: {  	(v2sf) =	vpush v5, $0xB;
	v7 =	vld [tilespmem:s29+$0x0]  }
0x13c: {  	v6 =	vadd.f32 v6, v8;
	_ =	sdelay $0x1  }
0x13d: {  	s30 =	spop (v2sf);
	v6 =	vmul.f32 v6, v4  }
0x13e: {  	(v2sf) =	vpush v5, $0xA;
	v8 =	vld [tilespmem:s30+$0x0]  }
0x13f: {  	v6 =	vadd.f32 v6, v7;
	_ =	sdelay $0x1  }
0x140: {  	s31 =	spop (v2sf);
	v6 =	vmul.f32 v6, v4  }
0x141: {  	(v2sf) =	vpush v5, $0x9;
	v7 =	vld [tilespmem:s31+$0x0]  }
0x142: {  	v6 =	vadd.f32 v6, v8;
	_ =	sdelay $0x1  }
0x143: {  	s20 =	spop (v2sf);
	v6 =	vmul.f32 v6, v4  }
0x144: {  	(v2sf) =	vpush v5, $0x8;
	v8 =	vld [tilespmem:s20+$0x0]  }
0x145: {  	v6 =	vadd.f32 v6, v7;
	_ =	sdelay $0x1  }
0x146: {  	s21 =	spop (v2sf);
	v6 =	vmul.f32 v6, v4  }
0x147: {  	(v2sf) =	vpush v5, $0x7;
	v7 =	vld [tilespmem:s21+$0x0]  }
0x148: {  	v6 =	vadd.f32 v6, v8;
	_ =	sdelay $0x1  }
0x149: {  	s22 =	spop (v2sf);
	v6 =	vmul.f32 v6, v4  }
0x14a: {  	(v2sf) =	vpush v5, $0x6;
	v8 =	vld [tilespmem:s22+$0x0]  }
0x14b: {  	v6 =	vadd.f32 v6, v7;
	_ =	sdelay $0x1  }
0x14c: {  	s23 =	spop (v2sf);
	v6 =	vmul.f32 v6, v4  }
0x14d: {  	(v2sf) =	vpush v5, $0x5;
	v7 =	vld [tilespmem:s23+$0x0]  }
0x14e: {  	v6 =	vadd.f32 v6, v8;
	_ =	sdelay $0x1  }
0x14f: {  	s24 =	spop (v2sf);
	v6 =	vmul.f32 v6, v4  }
0x150: {  	(v2sf) =	vpush v5, $0x4;
	v8 =	vld [tilespmem:s24+$0x0]  }
0x151: {  	v6 =	vadd.f32 v6, v7;
	_ =	sdelay $0x1  }
0x152: {  	s25 =	spop (v2sf);
	v6 =	vmul.f32 v6, v4  }
0x153: {  	(v2sf) =	vpush v5, $0x3;
	v7 =	vld [tilespmem:s25+$0x0]  }
0x154: {  	v6 =	vadd.f32 v6, v8;
	_ =	sdelay $0x1  }
0x155: {  	s26 =	spop (v2sf);
	v6 =	vmul.f32 v6, v4  }
0x156: {  	(v2sf) =	vpush v5, $0x2;
	v8 =	vld [tilespmem:s26+$0x0]  }
0x157: {  	v6 =	vadd.f32 v6, v7;
	_ =	sdelay $0x1  }
0x158: {  	s28 =	spop (v2sf);
	v6 =	vmul.f32 v6, v4  }
0x159: {  	(v2sf) =	vpush v5, $0x1;
	v7 =	vld [tilespmem:s28+$0x0]  }
0x15a: {  	v6 =	vadd.f32 v6, v8;
	_ =	sdelay $0x1  }
0x15b: {  	s29 =	spop (v2sf);
	v6 =	vmul.f32 v6, v4  }
0x15c: {  	(v2sf) =	vpush v5, $0x0;
	v8 =	vld [tilespmem:s29+$0x0]  }
0x15d: {  	v5 =	vadd.f32 v6, v7;
	_ =	sdelay $0x1  }
0x15e: {  	s30 =	spop (v2sf);
	v5 =	vmul.f32 v5, v4  }
0x15f: {  	v6 =	vld [tilespmem:s30+$0x0]  }
0x160: {  	v5 =	vadd.f32 v5, v8;
	_ =	sdelay $0x1  }
0x161: {  	s31 =	spop (v2sf);
	v5 =	vmul.f32 v5, v4  }
0x162: {  	v7 =	vld [tilespmem:s31+$0x0]  }
0x163: {  	v5 =	vadd.f32 v5, v6;
	_ =	sdelay $0x1  }
0x164: {  	s20 =	spop (v2sf);
	v5 =	vmul.f32 v5, v4  }
0x165: {  	v8 =	vld [tilespmem:s20+$0x0]  }
0x166: {  	s21 =	simm.s32 $0x1;
	v5 =	vadd.f32 v5, v7  }
0x167: {  	v6 =	vmov s21  }
0x168: {  	s22 =	spop (v2sf);
	v6 =	vmul.u32 $0x68, v6;
	v5 =	vmul.f32 v5, v4  }
0x169: {  	v7 =	vld [tilespmem:s22+$0x0]  }
0x16a: {  	v6 =	vbroadcast v6, $0x0;
	v5 =	vadd.f32 v5, v8;
	_ =	sdelay $0x1  }
0x16b: {  	v8 =	vadd.s32 v3, v6;
	v5 =	vmul.f32 v5, v4;
	_ =	sdelay $0x1  }
0x16c: {  	v5 =	vadd.f32 v5, v7  }
0x16d: {  	s19 =	simm.s32 $0x6A50  }
0x16e: {  	[tilespmem:s19+$0x0] =	vst v5  }
0x16f: {  	v7 =	vld.idx.msk [tilespmem:v8+s17+$0x0], $0xffff  }
0x170: {  	v8 =	vadd.s32 v2, v6;
	_ =	sdelay $0x3  }
0x171: {  	v7 =	vshll.u32 v7, $0x6  }
0x172: {  	v8 =	vld.idx.msk [tilespmem:v8+s17+$0x0], $0xffff;
	v7 =	vshra.s32 v7, $0x2  }
0x173: {  	(v2sf) =	vpush v7, $0x1;
	_ =	sdelay $0x1  }
0x174: {  	(v2sf) =	vpush v7, $0x0;
	_ =	sdelay $0x1  }
0x175: {  	v7 =	vshll.u32 v8, $0x6  }
0x176: {  	v7 =	vshra.s32 v7, $0x2  }
0x177: {  	(v2sf) =	vpush v7, $0xF;
	_ =	sdelay $0x3  }
0x178: {  	(v2sf) =	vpush v7, $0xE;
	_ =	sdelay $0x3  }
0x179: {  	(v2sf) =	vpush v7, $0xD  }
0x17a: {  	s20 =	spop (v2sf)  }
0x17b: {  	v8 =	vld [tilespmem:s20+$0x0]  }
0x17c: {  	s23 =	spop (v2sf)  }
0x17d: {  	(v2sf) =	vpush v7, $0xC;
	v9 =	vld [tilespmem:s23+$0x0];
	_ =	sdelay $0x2  }
0x17e: {  	s24 =	spop (v2sf);
	v8 =	vmul.f32 v8, v4  }
0x17f: {  	(v2sf) =	vpush v7, $0xB;
	v10 =	vld [tilespmem:s24+$0x0]  }
0x180: {  	v8 =	vadd.f32 v9, v8;
	_ =	sdelay $0x1  }
0x181: {  	s25 =	spop (v2sf);
	v8 =	vmul.f32 v8, v4  }
0x182: {  	(v2sf) =	vpush v7, $0xA;
	v9 =	vld [tilespmem:s25+$0x0]  }
0x183: {  	v8 =	vadd.f32 v8, v10;
	_ =	sdelay $0x1  }
0x184: {  	s26 =	spop (v2sf);
	v8 =	vmul.f32 v8, v4  }
0x185: {  	(v2sf) =	vpush v7, $0x9;
	v10 =	vld [tilespmem:s26+$0x0]  }
0x186: {  	v8 =	vadd.f32 v8, v9;
	_ =	sdelay $0x1  }
0x187: {  	s28 =	spop (v2sf);
	v8 =	vmul.f32 v8, v4  }
0x188: {  	(v2sf) =	vpush v7, $0x8;
	v9 =	vld [tilespmem:s28+$0x0]  }
0x189: {  	v8 =	vadd.f32 v8, v10;
	_ =	sdelay $0x1  }
0x18a: {  	s29 =	spop (v2sf);
	v8 =	vmul.f32 v8, v4  }
0x18b: {  	(v2sf) =	vpush v7, $0x7;
	v10 =	vld [tilespmem:s29+$0x0]  }
0x18c: {  	v8 =	vadd.f32 v8, v9;
	_ =	sdelay $0x1  }
0x18d: {  	s30 =	spop (v2sf);
	v8 =	vmul.f32 v8, v4  }
0x18e: {  	(v2sf) =	vpush v7, $0x6;
	v9 =	vld [tilespmem:s30+$0x0]  }
0x18f: {  	v8 =	vadd.f32 v8, v10;
	_ =	sdelay $0x1  }
0x190: {  	s31 =	spop (v2sf);
	v8 =	vmul.f32 v8, v4  }
0x191: {  	(v2sf) =	vpush v7, $0x5;
	v10 =	vld [tilespmem:s31+$0x0]  }
0x192: {  	v8 =	vadd.f32 v8, v9;
	_ =	sdelay $0x1  }
0x193: {  	s21 =	spop (v2sf);
	v8 =	vmul.f32 v8, v4  }
0x194: {  	(v2sf) =	vpush v7, $0x4;
	v9 =	vld [tilespmem:s21+$0x0]  }
0x195: {  	v8 =	vadd.f32 v8, v10;
	_ =	sdelay $0x1  }
0x196: {  	s22 =	spop (v2sf);
	v8 =	vmul.f32 v8, v4  }
0x197: {  	(v2sf) =	vpush v7, $0x3;
	v10 =	vld [tilespmem:s22+$0x0]  }
0x198: {  	v8 =	vadd.f32 v8, v9;
	_ =	sdelay $0x1  }
0x199: {  	s23 =	spop (v2sf);
	v8 =	vmul.f32 v8, v4  }
0x19a: {  	(v2sf) =	vpush v7, $0x2;
	v11 =	vld [tilespmem:s23+$0x0];
	v9 =	vadd.s32 v1, v6  }
0x19b: {  	v8 =	vadd.f32 v8, v10;
	_ =	sdelay $0x1  }
0x19c: {  	s24 =	spop (v2sf);
	v8 =	vmul.f32 v8, v4  }
0x19d: {  	(v2sf) =	vpush v7, $0x1;
	v10 =	vld [tilespmem:s24+$0x0]  }
0x19e: {  	v9 =	vld.idx.msk [tilespmem:v9+s17+$0x0], $0xffff;
	v8 =	vadd.f32 v8, v11;
	_ =	sdelay $0x1  }
0x19f: {  	s25 =	spop (v2sf);
	v8 =	vmul.f32 v8, v4  }
0x1a0: {  	(v2sf) =	vpush v7, $0x0;
	v11 =	vld [tilespmem:s25+$0x0]  }
0x1a1: {  	v7 =	vadd.f32 v8, v10  }
0x1a2: {  	v8 =	vshll.u32 v9, $0x6  }
0x1a3: {  	s26 =	spop (v2sf);
	v8 =	vshra.s32 v8, $0x2;
	v7 =	vmul.f32 v7, v4  }
0x1a4: {  	v9 =	vld [tilespmem:s26+$0x0];
	(v2sf) =	vpush v8, $0xF  }
0x1a5: {  	v7 =	vadd.f32 v7, v11;
	_ =	sdelay $0x1  }
0x1a6: {  	s28 =	spop (v2sf);
	v7 =	vmul.f32 v7, v4  }
0x1a7: {  	v10 =	vld [tilespmem:s28+$0x0];
	(v2sf) =	vpush v8, $0xE  }
0x1a8: {  	v7 =	vadd.f32 v7, v9;
	_ =	sdelay $0x1  }
0x1a9: {  	s29 =	spop (v2sf);
	v7 =	vmul.f32 v7, v4  }
0x1aa: {  	(v2sf) =	vpush v8, $0xD;
	v9 =	vld [tilespmem:s29+$0x0]  }
0x1ab: {  	v7 =	vadd.f32 v7, v10;
	_ =	sdelay $0x1  }
0x1ac: {  	s30 =	spop (v2sf);
	v7 =	vmul.f32 v7, v4  }
0x1ad: {  	(v2sf) =	vpush v8, $0xC;
	v10 =	vld [tilespmem:s30+$0x0]  }
0x1ae: {  	v7 =	vadd.f32 v7, v9;
	_ =	sdelay $0x1  }
0x1af: {  	s31 =	spop (v2sf);
	v7 =	vmul.f32 v7, v4  }
0x1b0: {  	(v2sf) =	vpush v8, $0xB;
	v9 =	vld [tilespmem:s31+$0x0]  }
0x1b1: {  	v7 =	vadd.f32 v7, v10;
	_ =	sdelay $0x1  }
0x1b2: {  	s21 =	spop (v2sf);
	v7 =	vmul.f32 v7, v4  }
0x1b3: {  	(v2sf) =	vpush v8, $0xA;
	v10 =	vld [tilespmem:s21+$0x0]  }
0x1b4: {  	v7 =	vadd.f32 v7, v9;
	_ =	sdelay $0x1  }
0x1b5: {  	s22 =	spop (v2sf);
	v7 =	vmul.f32 v7, v4  }
0x1b6: {  	(v2sf) =	vpush v8, $0x9;
	v9 =	vld [tilespmem:s22+$0x0]  }
0x1b7: {  	v7 =	vadd.f32 v7, v10;
	_ =	sdelay $0x1  }
0x1b8: {  	s23 =	spop (v2sf);
	v7 =	vmul.f32 v7, v4  }
0x1b9: {  	(v2sf) =	vpush v8, $0x8;
	v10 =	vld [tilespmem:s23+$0x0]  }
0x1ba: {  	v7 =	vadd.f32 v7, v9;
	_ =	sdelay $0x1  }
0x1bb: {  	s24 =	spop (v2sf);
	v7 =	vmul.f32 v7, v4  }
0x1bc: {  	(v2sf) =	vpush v8, $0x7;
	v9 =	vld [tilespmem:s24+$0x0]  }
0x1bd: {  	v7 =	vadd.f32 v7, v10;
	_ =	sdelay $0x1  }
0x1be: {  	s25 =	spop (v2sf);
	v7 =	vmul.f32 v7, v4  }
0x1bf: {  	(v2sf) =	vpush v8, $0x6;
	v10 =	vld [tilespmem:s25+$0x0]  }
0x1c0: {  	v7 =	vadd.f32 v7, v9;
	_ =	sdelay $0x1  }
0x1c1: {  	s26 =	spop (v2sf);
	v7 =	vmul.f32 v7, v4  }
0x1c2: {  	(v2sf) =	vpush v8, $0x5;
	v9 =	vld [tilespmem:s26+$0x0]  }
0x1c3: {  	v7 =	vadd.f32 v7, v10;
	_ =	sdelay $0x1  }
0x1c4: {  	s28 =	spop (v2sf);
	v7 =	vmul.f32 v7, v4  }
0x1c5: {  	(v2sf) =	vpush v8, $0x4;
	v10 =	vld [tilespmem:s28+$0x0]  }
0x1c6: {  	v7 =	vadd.f32 v7, v9;
	_ =	sdelay $0x1  }
0x1c7: {  	s29 =	spop (v2sf);
	v7 =	vmul.f32 v7, v4  }
0x1c8: {  	(v2sf) =	vpush v8, $0x3;
	v9 =	vld [tilespmem:s29+$0x0]  }
0x1c9: {  	v7 =	vadd.f32 v7, v10;
	_ =	sdelay $0x1  }
0x1ca: {  	s30 =	spop (v2sf);
	v7 =	vmul.f32 v7, v4  }
0x1cb: {  	v6 =	vadd.s32 v0, v6;
	(v2sf) =	vpush v8, $0x2;
	v10 =	vld [tilespmem:s30+$0x0]  }
0x1cc: {  	v7 =	vadd.f32 v7, v9;
	_ =	sdelay $0x1  }
0x1cd: {  	s31 =	spop (v2sf);
	v7 =	vmul.f32 v7, v4  }
0x1ce: {  	(v2sf) =	vpush v8, $0x1;
	v9 =	vld [tilespmem:s31+$0x0]  }
0x1cf: {  	v6 =	vld.idx.msk [tilespmem:v6+s17+$0x0], $0xffff;
	v7 =	vadd.f32 v7, v10;
	_ =	sdelay $0x1  }
0x1d0: {  	s21 =	spop (v2sf);
	v7 =	vmul.f32 v7, v4  }
0x1d1: {  	(v2sf) =	vpush v8, $0x0;
	v10 =	vld [tilespmem:s21+$0x0]  }
0x1d2: {  	v7 =	vadd.f32 v7, v9  }
0x1d3: {  	v6 =	vshll.u32 v6, $0x6  }
0x1d4: {  	v6 =	vshra.s32 v6, $0x2;
	s22 =	spop (v2sf);
	v7 =	vmul.f32 v7, v4  }
0x1d5: {  	(v2sf) =	vpush v6, $0xF;
	v8 =	vld [tilespmem:s22+$0x0]  }
0x1d6: {  	v7 =	vadd.f32 v7, v10;
	_ =	sdelay $0x1  }
0x1d7: {  	s23 =	spop (v2sf);
	v7 =	vmul.f32 v7, v4  }
0x1d8: {  	(v2sf) =	vpush v6, $0xE;
	v9 =	vld [tilespmem:s23+$0x0]  }
0x1d9: {  	v7 =	vadd.f32 v7, v8;
	_ =	sdelay $0x1  }
0x1da: {  	s24 =	spop (v2sf);
	v7 =	vmul.f32 v7, v4  }
0x1db: {  	(v2sf) =	vpush v6, $0xD;
	v8 =	vld [tilespmem:s24+$0x0]  }
0x1dc: {  	v7 =	vadd.f32 v7, v9;
	_ =	sdelay $0x1  }
0x1dd: {  	s25 =	spop (v2sf);
	v7 =	vmul.f32 v7, v4  }
0x1de: {  	(v2sf) =	vpush v6, $0xC;
	v9 =	vld [tilespmem:s25+$0x0]  }
0x1df: {  	v7 =	vadd.f32 v7, v8;
	_ =	sdelay $0x1  }
0x1e0: {  	s26 =	spop (v2sf);
	v7 =	vmul.f32 v7, v4  }
0x1e1: {  	(v2sf) =	vpush v6, $0xB;
	v8 =	vld [tilespmem:s26+$0x0]  }
0x1e2: {  	v7 =	vadd.f32 v7, v9;
	_ =	sdelay $0x1  }
0x1e3: {  	s28 =	spop (v2sf);
	v7 =	vmul.f32 v7, v4  }
0x1e4: {  	(v2sf) =	vpush v6, $0xA;
	v9 =	vld [tilespmem:s28+$0x0]  }
0x1e5: {  	v7 =	vadd.f32 v7, v8;
	_ =	sdelay $0x1  }
0x1e6: {  	s29 =	spop (v2sf);
	v7 =	vmul.f32 v7, v4  }
0x1e7: {  	(v2sf) =	vpush v6, $0x9;
	v8 =	vld [tilespmem:s29+$0x0]  }
0x1e8: {  	v7 =	vadd.f32 v7, v9;
	_ =	sdelay $0x1  }
0x1e9: {  	s30 =	spop (v2sf);
	v7 =	vmul.f32 v7, v4  }
0x1ea: {  	(v2sf) =	vpush v6, $0x8;
	v9 =	vld [tilespmem:s30+$0x0]  }
0x1eb: {  	v7 =	vadd.f32 v7, v8;
	_ =	sdelay $0x1  }
0x1ec: {  	s31 =	spop (v2sf);
	v7 =	vmul.f32 v7, v4  }
0x1ed: {  	(v2sf) =	vpush v6, $0x7;
	v8 =	vld [tilespmem:s31+$0x0]  }
0x1ee: {  	v7 =	vadd.f32 v7, v9;
	_ =	sdelay $0x1  }
0x1ef: {  	s21 =	spop (v2sf);
	v7 =	vmul.f32 v7, v4  }
0x1f0: {  	(v2sf) =	vpush v6, $0x6;
	v9 =	vld [tilespmem:s21+$0x0]  }
0x1f1: {  	v7 =	vadd.f32 v7, v8;
	_ =	sdelay $0x1  }
0x1f2: {  	s22 =	spop (v2sf);
	v7 =	vmul.f32 v7, v4  }
0x1f3: {  	(v2sf) =	vpush v6, $0x5;
	v8 =	vld [tilespmem:s22+$0x0]  }
0x1f4: {  	v7 =	vadd.f32 v7, v9;
	_ =	sdelay $0x1  }
0x1f5: {  	s23 =	spop (v2sf);
	v7 =	vmul.f32 v7, v4  }
0x1f6: {  	(v2sf) =	vpush v6, $0x4;
	v9 =	vld [tilespmem:s23+$0x0]  }
0x1f7: {  	v7 =	vadd.f32 v7, v8;
	_ =	sdelay $0x1  }
0x1f8: {  	s24 =	spop (v2sf);
	v7 =	vmul.f32 v7, v4  }
0x1f9: {  	(v2sf) =	vpush v6, $0x3;
	v8 =	vld [tilespmem:s24+$0x0]  }
0x1fa: {  	v7 =	vadd.f32 v7, v9;
	_ =	sdelay $0x1  }
0x1fb: {  	s25 =	spop (v2sf);
	v7 =	vmul.f32 v7, v4  }
0x1fc: {  	(v2sf) =	vpush v6, $0x2;
	v9 =	vld [tilespmem:s25+$0x0]  }
0x1fd: {  	v7 =	vadd.f32 v7, v8;
	_ =	sdelay $0x1  }
0x1fe: {  	s26 =	spop (v2sf);
	v7 =	vmul.f32 v7, v4  }
0x1ff: {  	(v2sf) =	vpush v6, $0x1;
	v8 =	vld [tilespmem:s26+$0x0]  }
0x200: {  	v7 =	vadd.f32 v7, v9;
	_ =	sdelay $0x1  }
0x201: {  	s28 =	spop (v2sf);
	v7 =	vmul.f32 v7, v4  }
0x202: {  	(v2sf) =	vpush v6, $0x0;
	v9 =	vld [tilespmem:s28+$0x0]  }
0x203: {  	v7 =	vadd.f32 v7, v8;
	_ =	sdelay $0x1  }
0x204: {  	s29 =	spop (v2sf);
	v7 =	vmul.f32 v7, v4  }
0x205: {  	v8 =	vld [tilespmem:s29+$0x0]  }
0x206: {  	v7 =	vadd.f32 v7, v9;
	_ =	sdelay $0x1  }
0x207: {  	s30 =	spop (v2sf);
	v7 =	vmul.f32 v7, v4  }
0x208: {  	v9 =	vld [tilespmem:s30+$0x0]  }
0x209: {  	v7 =	vadd.f32 v7, v8;
	_ =	sdelay $0x1  }
0x20a: {  	s21 =	spop (v2sf);
	v8 =	vimm.f32 $0.0e+00;
	v7 =	vmul.f32 v7, v4  }
0x20b: {  	v5 =	vadd.f32 v5, v8;
	v8 =	vld [tilespmem:s21+$0x0]  }
0x20c: {  	s31 =	simm.s32 $0x2;
	v6 =	vadd.f32 v7, v9  }
0x20d: {  	s20 =	simm.s32 $0x3;
	v7 =	vmov s31  }
.LBB2_6:
0x20e: {  	p0 =	sne.s32 s20, $0xC7;
	v7 =	vmul.u32 $0x68, v7;
	v9 =	vmul.f32 v6, v4;
	s21 =	spop (v2sf)  }
0x20f: {  	v10 =	vld [tilespmem:s21+$0x0]  }
0x210: {  	v6 =	vbroadcast v7, $0x0;
	v7 =	vadd.f32 v9, v8;
	_ =	sdelay $0x1  }
0x211: {  	v8 =	vadd.s32 v3, v6;
	v7 =	vmul.f32 v7, v4;
	_ =	sdelay $0x1  }
0x212: {  	v7 =	vadd.f32 v7, v10  }
0x213: {  	s19 =	sadd.s32 $0x10, s19  }
0x214: {  	[tilespmem:s19+$0x0] =	vst v7;
	v5 =	vadd.f32 v7, v5  }
0x215: {  	v7 =	vld.idx.msk [tilespmem:v8+s17+$0x0], $0xffff  }
0x216: {  	v8 =	vadd.s32 v2, v6;
	_ =	sdelay $0x4  }
0x217: {  	v7 =	vshll.u32 v7, $0x6;
	v8 =	vld.idx.msk [tilespmem:v8+s17+$0x0], $0xffff  }
0x218: {  	v7 =	vshra.s32 v7, $0x2  }
0x219: {  	(v2sf) =	vpush v7, $0x1;
	_ =	sdelay $0x1  }
0x21a: {  	(v2sf) =	vpush v7, $0x0;
	_ =	sdelay $0x1  }
0x21b: {  	v7 =	vshll.u32 v8, $0x6  }
0x21c: {  	v7 =	vshra.s32 v7, $0x2  }
0x21d: {  	(v2sf) =	vpush v7, $0xF;
	_ =	sdelay $0x3  }
0x21e: {  	(v2sf) =	vpush v7, $0xE;
	_ =	sdelay $0x3  }
0x21f: {  	(v2sf) =	vpush v7, $0xD  }
0x220: {  	s21 =	spop (v2sf)  }
0x221: {  	v8 =	vld [tilespmem:s21+$0x0]  }
0x222: {  	s21 =	spop (v2sf)  }
0x223: {  	v9 =	vld [tilespmem:s21+$0x0];
	(v2sf) =	vpush v7, $0xC;
	_ =	sdelay $0x2  }
0x224: {  	v8 =	vmul.f32 v8, v4;
	s21 =	spop (v2sf)  }
0x225: {  	v10 =	vld [tilespmem:s21+$0x0];
	(v2sf) =	vpush v7, $0xB  }
0x226: {  	v8 =	vadd.f32 v9, v8;
	_ =	sdelay $0x1  }
0x227: {  	v8 =	vmul.f32 v8, v4;
	s21 =	spop (v2sf)  }
0x228: {  	v9 =	vld [tilespmem:s21+$0x0];
	(v2sf) =	vpush v7, $0xA  }
0x229: {  	v8 =	vadd.f32 v8, v10;
	_ =	sdelay $0x1  }
0x22a: {  	v8 =	vmul.f32 v8, v4;
	s21 =	spop (v2sf)  }
0x22b: {  	v10 =	vld [tilespmem:s21+$0x0];
	(v2sf) =	vpush v7, $0x9  }
0x22c: {  	v8 =	vadd.f32 v8, v9;
	_ =	sdelay $0x1  }
0x22d: {  	v8 =	vmul.f32 v8, v4;
	s21 =	spop (v2sf)  }
0x22e: {  	v9 =	vld [tilespmem:s21+$0x0];
	(v2sf) =	vpush v7, $0x8  }
0x22f: {  	v8 =	vadd.f32 v8, v10;
	_ =	sdelay $0x1  }
0x230: {  	v8 =	vmul.f32 v8, v4;
	s21 =	spop (v2sf)  }
0x231: {  	v10 =	vld [tilespmem:s21+$0x0];
	(v2sf) =	vpush v7, $0x7  }
0x232: {  	v8 =	vadd.f32 v8, v9;
	_ =	sdelay $0x1  }
0x233: {  	v8 =	vmul.f32 v8, v4;
	s21 =	spop (v2sf)  }
0x234: {  	v9 =	vld [tilespmem:s21+$0x0];
	(v2sf) =	vpush v7, $0x6  }
0x235: {  	v8 =	vadd.f32 v8, v10;
	_ =	sdelay $0x1  }
0x236: {  	v8 =	vmul.f32 v8, v4;
	s21 =	spop (v2sf)  }
0x237: {  	v10 =	vld [tilespmem:s21+$0x0];
	(v2sf) =	vpush v7, $0x5  }
0x238: {  	v8 =	vadd.f32 v8, v9;
	_ =	sdelay $0x1  }
0x239: {  	v8 =	vmul.f32 v8, v4;
	s21 =	spop (v2sf)  }
0x23a: {  	v9 =	vld [tilespmem:s21+$0x0];
	(v2sf) =	vpush v7, $0x4  }
0x23b: {  	v8 =	vadd.f32 v8, v10;
	_ =	sdelay $0x1  }
0x23c: {  	v8 =	vmul.f32 v8, v4;
	s21 =	spop (v2sf)  }
0x23d: {  	v10 =	vld [tilespmem:s21+$0x0];
	(v2sf) =	vpush v7, $0x3  }
0x23e: {  	v8 =	vadd.f32 v8, v9  }
0x23f: {  	v9 =	vadd.s32 v1, v6  }
0x240: {  	v8 =	vmul.f32 v8, v4;
	s21 =	spop (v2sf)  }
0x241: {  	v11 =	vld [tilespmem:s21+$0x0];
	(v2sf) =	vpush v7, $0x2  }
0x242: {  	v8 =	vadd.f32 v8, v10;
	_ =	sdelay $0x1  }
0x243: {  	v9 =	vld.idx.msk [tilespmem:v9+s17+$0x0], $0xffff;
	v8 =	vmul.f32 v8, v4;
	s21 =	spop (v2sf)  }
0x244: {  	v10 =	vld [tilespmem:s21+$0x0];
	(v2sf) =	vpush v7, $0x1  }
0x245: {  	v8 =	vadd.f32 v8, v11;
	_ =	sdelay $0x1  }
0x246: {  	v8 =	vmul.f32 v8, v4;
	s21 =	spop (v2sf)  }
0x247: {  	v11 =	vld [tilespmem:s21+$0x0];
	(v2sf) =	vpush v7, $0x0  }
0x248: {  	v7 =	vadd.f32 v8, v10  }
0x249: {  	v8 =	vshll.u32 v9, $0x6  }
0x24a: {  	v9 =	vmul.f32 v7, v4;
	v7 =	vshra.s32 v8, $0x2;
	s21 =	spop (v2sf)  }
0x24b: {  	v8 =	vld [tilespmem:s21+$0x0];
	(v2sf) =	vpush v7, $0xF  }
0x24c: {  	v9 =	vadd.f32 v9, v11;
	_ =	sdelay $0x1  }
0x24d: {  	v9 =	vmul.f32 v9, v4;
	s21 =	spop (v2sf)  }
0x24e: {  	v10 =	vld [tilespmem:s21+$0x0];
	(v2sf) =	vpush v7, $0xE  }
0x24f: {  	v8 =	vadd.f32 v9, v8;
	_ =	sdelay $0x1  }
0x250: {  	v8 =	vmul.f32 v8, v4;
	s21 =	spop (v2sf)  }
0x251: {  	v9 =	vld [tilespmem:s21+$0x0];
	(v2sf) =	vpush v7, $0xD  }
0x252: {  	v8 =	vadd.f32 v8, v10;
	_ =	sdelay $0x1  }
0x253: {  	v8 =	vmul.f32 v8, v4;
	s21 =	spop (v2sf)  }
0x254: {  	v10 =	vld [tilespmem:s21+$0x0];
	(v2sf) =	vpush v7, $0xC  }
0x255: {  	v8 =	vadd.f32 v8, v9;
	_ =	sdelay $0x1  }
0x256: {  	v8 =	vmul.f32 v8, v4;
	s21 =	spop (v2sf)  }
0x257: {  	v9 =	vld [tilespmem:s21+$0x0];
	(v2sf) =	vpush v7, $0xB  }
0x258: {  	v8 =	vadd.f32 v8, v10;
	_ =	sdelay $0x1  }
0x259: {  	v8 =	vmul.f32 v8, v4;
	s21 =	spop (v2sf)  }
0x25a: {  	v10 =	vld [tilespmem:s21+$0x0];
	(v2sf) =	vpush v7, $0xA  }
0x25b: {  	v8 =	vadd.f32 v8, v9;
	_ =	sdelay $0x1  }
0x25c: {  	v8 =	vmul.f32 v8, v4;
	s21 =	spop (v2sf)  }
0x25d: {  	v9 =	vld [tilespmem:s21+$0x0];
	(v2sf) =	vpush v7, $0x9  }
0x25e: {  	v8 =	vadd.f32 v8, v10;
	_ =	sdelay $0x1  }
0x25f: {  	v8 =	vmul.f32 v8, v4;
	s21 =	spop (v2sf)  }
0x260: {  	v10 =	vld [tilespmem:s21+$0x0];
	(v2sf) =	vpush v7, $0x8  }
0x261: {  	v8 =	vadd.f32 v8, v9;
	_ =	sdelay $0x1  }
0x262: {  	v8 =	vmul.f32 v8, v4;
	s21 =	spop (v2sf)  }
0x263: {  	v9 =	vld [tilespmem:s21+$0x0];
	(v2sf) =	vpush v7, $0x7  }
0x264: {  	v8 =	vadd.f32 v8, v10;
	_ =	sdelay $0x1  }
0x265: {  	v8 =	vmul.f32 v8, v4;
	s21 =	spop (v2sf)  }
0x266: {  	v10 =	vld [tilespmem:s21+$0x0];
	(v2sf) =	vpush v7, $0x6  }
0x267: {  	v8 =	vadd.f32 v8, v9;
	_ =	sdelay $0x1  }
0x268: {  	v8 =	vmul.f32 v8, v4;
	s21 =	spop (v2sf)  }
0x269: {  	v9 =	vld [tilespmem:s21+$0x0];
	(v2sf) =	vpush v7, $0x5  }
0x26a: {  	v8 =	vadd.f32 v8, v10;
	_ =	sdelay $0x1  }
0x26b: {  	v8 =	vmul.f32 v8, v4;
	s21 =	spop (v2sf)  }
0x26c: {  	v10 =	vld [tilespmem:s21+$0x0];
	(v2sf) =	vpush v7, $0x4  }
0x26d: {  	v8 =	vadd.f32 v8, v9;
	_ =	sdelay $0x1  }
0x26e: {  	v8 =	vmul.f32 v8, v4;
	s21 =	spop (v2sf)  }
0x26f: {  	v9 =	vld [tilespmem:s21+$0x0];
	(v2sf) =	vpush v7, $0x3  }
0x270: {  	v8 =	vadd.f32 v8, v10  }
0x271: {  	v6 =	vadd.s32 v0, v6  }
0x272: {  	v8 =	vmul.f32 v8, v4;
	s21 =	spop (v2sf)  }
0x273: {  	v10 =	vld [tilespmem:s21+$0x0];
	(v2sf) =	vpush v7, $0x2  }
0x274: {  	v8 =	vadd.f32 v8, v9;
	_ =	sdelay $0x1  }
0x275: {  	v6 =	vld.idx.msk [tilespmem:v6+s17+$0x0], $0xffff;
	v8 =	vmul.f32 v8, v4;
	s21 =	spop (v2sf)  }
0x276: {  	v9 =	vld [tilespmem:s21+$0x0];
	(v2sf) =	vpush v7, $0x1  }
0x277: {  	v8 =	vadd.f32 v8, v10;
	_ =	sdelay $0x1  }
0x278: {  	v8 =	vmul.f32 v8, v4;
	s21 =	spop (v2sf)  }
0x279: {  	v10 =	vld [tilespmem:s21+$0x0];
	(v2sf) =	vpush v7, $0x0  }
0x27a: {  	v7 =	vadd.f32 v8, v9  }
0x27b: {  	v6 =	vshll.u32 v6, $0x6  }
0x27c: {  	v6 =	vshra.s32 v6, $0x2;
	v7 =	vmul.f32 v7, v4;
	s21 =	spop (v2sf)  }
0x27d: {  	v8 =	vld [tilespmem:s21+$0x0];
	(v2sf) =	vpush v6, $0xF  }
0x27e: {  	v7 =	vadd.f32 v7, v10;
	_ =	sdelay $0x1  }
0x27f: {  	v7 =	vmul.f32 v7, v4;
	s21 =	spop (v2sf)  }
0x280: {  	v9 =	vld [tilespmem:s21+$0x0];
	(v2sf) =	vpush v6, $0xE  }
0x281: {  	v7 =	vadd.f32 v7, v8;
	_ =	sdelay $0x1  }
0x282: {  	v7 =	vmul.f32 v7, v4;
	s21 =	spop (v2sf)  }
0x283: {  	v8 =	vld [tilespmem:s21+$0x0];
	(v2sf) =	vpush v6, $0xD  }
0x284: {  	v7 =	vadd.f32 v7, v9;
	_ =	sdelay $0x1  }
0x285: {  	v7 =	vmul.f32 v7, v4;
	s21 =	spop (v2sf)  }
0x286: {  	v9 =	vld [tilespmem:s21+$0x0];
	(v2sf) =	vpush v6, $0xC  }
0x287: {  	v7 =	vadd.f32 v7, v8;
	_ =	sdelay $0x1  }
0x288: {  	v7 =	vmul.f32 v7, v4;
	s21 =	spop (v2sf)  }
0x289: {  	v8 =	vld [tilespmem:s21+$0x0];
	(v2sf) =	vpush v6, $0xB  }
0x28a: {  	v7 =	vadd.f32 v7, v9;
	_ =	sdelay $0x1  }
0x28b: {  	v7 =	vmul.f32 v7, v4;
	s21 =	spop (v2sf)  }
0x28c: {  	v9 =	vld [tilespmem:s21+$0x0];
	(v2sf) =	vpush v6, $0xA  }
0x28d: {  	v7 =	vadd.f32 v7, v8;
	_ =	sdelay $0x1  }
0x28e: {  	v7 =	vmul.f32 v7, v4;
	s21 =	spop (v2sf)  }
0x28f: {  	v8 =	vld [tilespmem:s21+$0x0];
	(v2sf) =	vpush v6, $0x9  }
0x290: {  	v7 =	vadd.f32 v7, v9;
	_ =	sdelay $0x1  }
0x291: {  	v7 =	vmul.f32 v7, v4;
	s21 =	spop (v2sf)  }
0x292: {  	v9 =	vld [tilespmem:s21+$0x0];
	(v2sf) =	vpush v6, $0x8  }
0x293: {  	v7 =	vadd.f32 v7, v8;
	_ =	sdelay $0x1  }
0x294: {  	v7 =	vmul.f32 v7, v4;
	s21 =	spop (v2sf)  }
0x295: {  	v8 =	vld [tilespmem:s21+$0x0];
	(v2sf) =	vpush v6, $0x7  }
0x296: {  	v7 =	vadd.f32 v7, v9;
	_ =	sdelay $0x1  }
0x297: {  	v7 =	vmul.f32 v7, v4;
	s21 =	spop (v2sf)  }
0x298: {  	v9 =	vld [tilespmem:s21+$0x0];
	(v2sf) =	vpush v6, $0x6  }
0x299: {  	v7 =	vadd.f32 v7, v8;
	_ =	sdelay $0x1  }
0x29a: {  	v7 =	vmul.f32 v7, v4;
	s21 =	spop (v2sf)  }
0x29b: {  	v8 =	vld [tilespmem:s21+$0x0];
	(v2sf) =	vpush v6, $0x5  }
0x29c: {  	v7 =	vadd.f32 v7, v9;
	_ =	sdelay $0x1  }
0x29d: {  	v7 =	vmul.f32 v7, v4;
	s21 =	spop (v2sf)  }
0x29e: {  	v9 =	vld [tilespmem:s21+$0x0];
	(v2sf) =	vpush v6, $0x4  }
0x29f: {  	v7 =	vadd.f32 v7, v8;
	_ =	sdelay $0x1  }
0x2a0: {  	v7 =	vmul.f32 v7, v4;
	s21 =	spop (v2sf)  }
0x2a1: {  	v8 =	vld [tilespmem:s21+$0x0];
	(v2sf) =	vpush v6, $0x3  }
0x2a2: {  	v7 =	vadd.f32 v7, v9;
	_ =	sdelay $0x1  }
0x2a3: {  	v7 =	vmul.f32 v7, v4;
	s21 =	spop (v2sf)  }
0x2a4: {  	v9 =	vld [tilespmem:s21+$0x0];
	(v2sf) =	vpush v6, $0x2  }
0x2a5: {  	v7 =	vadd.f32 v7, v8;
	_ =	sdelay $0x1  }
0x2a6: {  	v7 =	vmul.f32 v7, v4;
	s21 =	spop (v2sf)  }
0x2a7: {  	v8 =	vld [tilespmem:s21+$0x0];
	(v2sf) =	vpush v6, $0x1  }
0x2a8: {  	v7 =	vadd.f32 v7, v9;
	_ =	sdelay $0x1  }
0x2a9: {  	v7 =	vmul.f32 v7, v4;
	s21 =	spop (v2sf)  }
0x2aa: {  	v9 =	vld [tilespmem:s21+$0x0];
	(v2sf) =	vpush v6, $0x0  }
0x2ab: {  	v6 =	vadd.f32 v7, v8;
	_ =	sdelay $0x1  }
0x2ac: {  	v6 =	vmul.f32 v6, v4;
	s21 =	spop (v2sf)  }
0x2ad: {  	v7 =	vld [tilespmem:s21+$0x0]  }
0x2ae: {  	v6 =	vadd.f32 v6, v9;
	_ =	sdelay $0x1  }
0x2af: {  	v6 =	vmul.f32 v6, v4;
	s21 =	spop (v2sf)  }
0x2b0: {  	v9 =	vld [tilespmem:s21+$0x0]  }
0x2b1: {  	v6 =	vadd.f32 v6, v7  }
.Ltmp3:
0x2b2: {  	(pc) =	sbr.rel @p0 .LBB2_6-.Ltmp3, $4  }
0x2b3: {  	v6 =	vmul.f32 v6, v4;
	s21 =	spop (v2sf)  }
0x2b4: {  	v8 =	vld [tilespmem:s21+$0x0]  }
0x2b5: {  	v6 =	vadd.f32 v6, v9  }
0x2b6: {  	v7 =	vmov s20;
	s20 =	sadd.s32 $0x1, s20  }
0x2b7: {  	v7 =	vmul.u32 $0x68, v7;
	v6 =	vmul.f32 v6, v4;
	s20 =	spop (v2sf)  }
0x2b8: {  	v9 =	vld [tilespmem:s20+$0x0]  }
0x2b9: {  	v7 =	vbroadcast v7, $0x0;
	v6 =	vadd.f32 v6, v8;
	_ =	sdelay $0x1  }
0x2ba: {  	v13 =	vadd.s32 v3, v7;
	v6 =	vmul.f32 v6, v4;
	_ =	sdelay $0x1  }
0x2bb: {  	v6 =	vadd.f32 v6, v9  }
0x2bc: {  	s19 =	sadd.s32 $0x10, s19  }
0x2bd: {  	[tilespmem:s19+$0x0] =	vst v6  }
0x2be: {  	v8 =	vld.idx.msk [tilespmem:v13+s17+$0x0], $0xffff  }
0x2bf: {  	v14 =	vadd.s32 v2, v7;
	_ =	sdelay $0x3  }
0x2c0: {  	v8 =	vshll.u32 v8, $0x6  }
0x2c1: {  	v9 =	vld.idx.msk [tilespmem:v14+s17+$0x0], $0xffff;
	v8 =	vshra.s32 v8, $0x2  }
0x2c2: {  	(v2sf) =	vpush v8, $0x1;
	_ =	sdelay $0x1  }
0x2c3: {  	(v2sf) =	vpush v8, $0x0;
	_ =	sdelay $0x1  }
0x2c4: {  	v15 =	vshll.u32 v9, $0x6  }
0x2c5: {  	v8 =	vshra.s32 v15, $0x2  }
0x2c6: {  	(v2sf) =	vpush v8, $0xF;
	_ =	sdelay $0x3  }
0x2c7: {  	(v2sf) =	vpush v8, $0xE;
	_ =	sdelay $0x3  }
0x2c8: {  	(v2sf) =	vpush v8, $0xD  }
0x2c9: {  	s21 =	spop (v2sf)  }
0x2ca: {  	v16 =	vld [tilespmem:s21+$0x0]  }
0x2cb: {  	s22 =	spop (v2sf)  }
0x2cc: {  	(v2sf) =	vpush v8, $0xC;
	v10 =	vld [tilespmem:s22+$0x0];
	_ =	sdelay $0x2  }
0x2cd: {  	s23 =	spop (v2sf);
	v9 =	vmul.f32 v16, v4  }
0x2ce: {  	(v2sf) =	vpush v8, $0xB;
	v11 =	vld [tilespmem:s23+$0x0]  }
0x2cf: {  	v9 =	vadd.f32 v10, v9;
	_ =	sdelay $0x1  }
0x2d0: {  	s24 =	spop (v2sf);
	v9 =	vmul.f32 v9, v4  }
0x2d1: {  	(v2sf) =	vpush v8, $0xA;
	v17 =	vld [tilespmem:s24+$0x0]  }
0x2d2: {  	v9 =	vadd.f32 v9, v11;
	_ =	sdelay $0x1  }
0x2d3: {  	s25 =	spop (v2sf);
	v9 =	vmul.f32 v9, v4  }
0x2d4: {  	(v2sf) =	vpush v8, $0x9;
	v18 =	vld [tilespmem:s25+$0x0]  }
0x2d5: {  	v9 =	vadd.f32 v9, v17;
	_ =	sdelay $0x1  }
0x2d6: {  	s26 =	spop (v2sf);
	v9 =	vmul.f32 v9, v4  }
0x2d7: {  	(v2sf) =	vpush v8, $0x8;
	v19 =	vld [tilespmem:s26+$0x0]  }
0x2d8: {  	v9 =	vadd.f32 v9, v18;
	_ =	sdelay $0x1  }
0x2d9: {  	s28 =	spop (v2sf);
	v9 =	vmul.f32 v9, v4  }
0x2da: {  	(v2sf) =	vpush v8, $0x7;
	v20 =	vld [tilespmem:s28+$0x0]  }
0x2db: {  	v9 =	vadd.f32 v9, v19;
	_ =	sdelay $0x1  }
0x2dc: {  	s29 =	spop (v2sf);
	v9 =	vmul.f32 v9, v4  }
0x2dd: {  	(v2sf) =	vpush v8, $0x6;
	v21 =	vld [tilespmem:s29+$0x0]  }
0x2de: {  	v9 =	vadd.f32 v9, v20;
	_ =	sdelay $0x1  }
0x2df: {  	s30 =	spop (v2sf);
	v9 =	vmul.f32 v9, v4  }
0x2e0: {  	(v2sf) =	vpush v8, $0x5;
	v22 =	vld [tilespmem:s30+$0x0]  }
0x2e1: {  	v9 =	vadd.f32 v9, v21;
	_ =	sdelay $0x1  }
0x2e2: {  	s31 =	spop (v2sf);
	v9 =	vmul.f32 v9, v4  }
0x2e3: {  	(v2sf) =	vpush v8, $0x4;
	v23 =	vld [tilespmem:s31+$0x0]  }
0x2e4: {  	v9 =	vadd.f32 v9, v22;
	_ =	sdelay $0x1  }
0x2e5: {  	s21 =	spop (v2sf);
	v9 =	vmul.f32 v9, v4  }
0x2e6: {  	(v2sf) =	vpush v8, $0x3;
	v24 =	vld [tilespmem:s21+$0x0]  }
0x2e7: {  	v9 =	vadd.f32 v9, v23;
	_ =	sdelay $0x1  }
0x2e8: {  	s22 =	spop (v2sf);
	v9 =	vmul.f32 v9, v4  }
0x2e9: {  	v25 =	vadd.s32 v1, v7;
	(v2sf) =	vpush v8, $0x2;
	v12 =	vld [tilespmem:s22+$0x0]  }
0x2ea: {  	v9 =	vadd.f32 v9, v24;
	_ =	sdelay $0x1  }
0x2eb: {  	s23 =	spop (v2sf);
	v9 =	vmul.f32 v9, v4  }
0x2ec: {  	(v2sf) =	vpush v8, $0x1;
	v26 =	vld [tilespmem:s23+$0x0]  }
0x2ed: {  	v10 =	vld.idx.msk [tilespmem:v25+s17+$0x0], $0xffff;
	v9 =	vadd.f32 v9, v12;
	_ =	sdelay $0x1  }
0x2ee: {  	s24 =	spop (v2sf);
	v9 =	vmul.f32 v9, v4  }
0x2ef: {  	(v2sf) =	vpush v8, $0x0;
	v27 =	vld [tilespmem:s24+$0x0]  }
0x2f0: {  	v9 =	vadd.f32 v9, v26  }
0x2f1: {  	v10 =	vshll.u32 v10, $0x6  }
0x2f2: {  	v10 =	vshra.s32 v10, $0x2;
	s25 =	spop (v2sf);
	v9 =	vmul.f32 v9, v4  }
0x2f3: {  	(v2sf) =	vpush v10, $0xF;
	v28 =	vld [tilespmem:s25+$0x0]  }
0x2f4: {  	v8 =	vadd.f32 v9, v27;
	_ =	sdelay $0x1  }
0x2f5: {  	s26 =	spop (v2sf);
	v8 =	vmul.f32 v8, v4  }
0x2f6: {  	(v2sf) =	vpush v10, $0xE;
	v29 =	vld [tilespmem:s26+$0x0]  }
0x2f7: {  	v8 =	vadd.f32 v8, v28;
	_ =	sdelay $0x1  }
0x2f8: {  	s28 =	spop (v2sf);
	v8 =	vmul.f32 v8, v4  }
0x2f9: {  	(v2sf) =	vpush v10, $0xD;
	v30 =	vld [tilespmem:s28+$0x0]  }
0x2fa: {  	v8 =	vadd.f32 v8, v29;
	_ =	sdelay $0x1  }
0x2fb: {  	s29 =	spop (v2sf);
	v8 =	vmul.f32 v8, v4  }
0x2fc: {  	(v2sf) =	vpush v10, $0xC;
	v31 =	vld [tilespmem:s29+$0x0]  }
0x2fd: {  	v8 =	vadd.f32 v8, v30;
	_ =	sdelay $0x1  }
0x2fe: {  	s30 =	spop (v2sf);
	v8 =	vmul.f32 v8, v4  }
0x2ff: {  	(v2sf) =	vpush v10, $0xB;
	v32 =	vld [tilespmem:s30+$0x0]  }
0x300: {  	v8 =	vadd.f32 v8, v31;
	_ =	sdelay $0x1  }
0x301: {  	s31 =	spop (v2sf);
	v8 =	vmul.f32 v8, v4  }
0x302: {  	(v2sf) =	vpush v10, $0xA;
	v33 =	vld [tilespmem:s31+$0x0]  }
0x303: {  	v8 =	vadd.f32 v8, v32;
	_ =	sdelay $0x1  }
0x304: {  	s21 =	spop (v2sf);
	v8 =	vmul.f32 v8, v4  }
0x305: {  	(v2sf) =	vpush v10, $0x9;
	v34 =	vld [tilespmem:s21+$0x0]  }
0x306: {  	v8 =	vadd.f32 v8, v33;
	_ =	sdelay $0x1  }
0x307: {  	s22 =	spop (v2sf);
	v8 =	vmul.f32 v8, v4  }
0x308: {  	(v2sf) =	vpush v10, $0x8;
	v35 =	vld [tilespmem:s22+$0x0]  }
0x309: {  	v8 =	vadd.f32 v8, v34;
	_ =	sdelay $0x1  }
0x30a: {  	s23 =	spop (v2sf);
	v8 =	vmul.f32 v8, v4  }
0x30b: {  	(v2sf) =	vpush v10, $0x7;
	v36 =	vld [tilespmem:s23+$0x0]  }
0x30c: {  	v8 =	vadd.f32 v8, v35;
	_ =	sdelay $0x1  }
0x30d: {  	s24 =	spop (v2sf);
	v8 =	vmul.f32 v8, v4  }
0x30e: {  	(v2sf) =	vpush v10, $0x6;
	v37 =	vld [tilespmem:s24+$0x0]  }
0x30f: {  	v8 =	vadd.f32 v8, v36;
	_ =	sdelay $0x1  }
0x310: {  	s25 =	spop (v2sf);
	v8 =	vmul.f32 v8, v4  }
0x311: {  	(v2sf) =	vpush v10, $0x5;
	v38 =	vld [tilespmem:s25+$0x0]  }
0x312: {  	v8 =	vadd.f32 v8, v37;
	_ =	sdelay $0x1  }
0x313: {  	s26 =	spop (v2sf);
	v8 =	vmul.f32 v8, v4  }
0x314: {  	(v2sf) =	vpush v10, $0x4;
	v39 =	vld [tilespmem:s26+$0x0]  }
0x315: {  	v8 =	vadd.f32 v8, v38;
	_ =	sdelay $0x1  }
0x316: {  	s28 =	spop (v2sf);
	v8 =	vmul.f32 v8, v4  }
0x317: {  	(v2sf) =	vpush v10, $0x3;
	v40 =	vld [tilespmem:s28+$0x0]  }
0x318: {  	v8 =	vadd.f32 v8, v39;
	_ =	sdelay $0x1  }
0x319: {  	s29 =	spop (v2sf);
	v8 =	vmul.f32 v8, v4  }
0x31a: {  	v7 =	vadd.s32 v0, v7;
	(v2sf) =	vpush v10, $0x2;
	v41 =	vld [tilespmem:s29+$0x0]  }
0x31b: {  	v8 =	vadd.f32 v8, v40;
	_ =	sdelay $0x1  }
0x31c: {  	s30 =	spop (v2sf);
	v8 =	vmul.f32 v8, v4  }
0x31d: {  	(v2sf) =	vpush v10, $0x1;
	v42 =	vld [tilespmem:s30+$0x0]  }
0x31e: {  	v7 =	vld.idx.msk [tilespmem:v7+s17+$0x0], $0xffff;
	v8 =	vadd.f32 v8, v41;
	_ =	sdelay $0x1  }
0x31f: {  	s31 =	spop (v2sf);
	v8 =	vmul.f32 v8, v4  }
0x320: {  	(v2sf) =	vpush v10, $0x0;
	v43 =	vld [tilespmem:s31+$0x0]  }
0x321: {  	v8 =	vadd.f32 v8, v42  }
0x322: {  	v7 =	vshll.u32 v7, $0x6  }
0x323: {  	v7 =	vshra.s32 v7, $0x2;
	s21 =	spop (v2sf);
	v8 =	vmul.f32 v8, v4  }
0x324: {  	(v2sf) =	vpush v7, $0xF;
	v44 =	vld [tilespmem:s21+$0x0]  }
0x325: {  	v8 =	vadd.f32 v8, v43;
	_ =	sdelay $0x1  }
0x326: {  	s22 =	spop (v2sf);
	v8 =	vmul.f32 v8, v4  }
0x327: {  	(v2sf) =	vpush v7, $0xE;
	v45 =	vld [tilespmem:s22+$0x0]  }
0x328: {  	v8 =	vadd.f32 v8, v44;
	_ =	sdelay $0x1  }
0x329: {  	s23 =	spop (v2sf);
	v8 =	vmul.f32 v8, v4  }
0x32a: {  	(v2sf) =	vpush v7, $0xD;
	v46 =	vld [tilespmem:s23+$0x0]  }
0x32b: {  	v8 =	vadd.f32 v8, v45;
	_ =	sdelay $0x1  }
0x32c: {  	s24 =	spop (v2sf);
	v8 =	vmul.f32 v8, v4  }
0x32d: {  	(v2sf) =	vpush v7, $0xC;
	v47 =	vld [tilespmem:s24+$0x0]  }
0x32e: {  	v8 =	vadd.f32 v8, v46;
	_ =	sdelay $0x1  }
0x32f: {  	s25 =	spop (v2sf);
	v8 =	vmul.f32 v8, v4  }
0x330: {  	(v2sf) =	vpush v7, $0xB;
	v48 =	vld [tilespmem:s25+$0x0]  }
0x331: {  	v8 =	vadd.f32 v8, v47;
	_ =	sdelay $0x1  }
0x332: {  	s26 =	spop (v2sf);
	v8 =	vmul.f32 v8, v4  }
0x333: {  	(v2sf) =	vpush v7, $0xA;
	v49 =	vld [tilespmem:s26+$0x0]  }
0x334: {  	v8 =	vadd.f32 v8, v48;
	_ =	sdelay $0x1  }
0x335: {  	s28 =	spop (v2sf);
	v8 =	vmul.f32 v8, v4  }
0x336: {  	(v2sf) =	vpush v7, $0x9;
	v50 =	vld [tilespmem:s28+$0x0]  }
0x337: {  	v8 =	vadd.f32 v8, v49;
	_ =	sdelay $0x1  }
0x338: {  	s29 =	spop (v2sf);
	v8 =	vmul.f32 v8, v4  }
0x339: {  	(v2sf) =	vpush v7, $0x8;
	v51 =	vld [tilespmem:s29+$0x0]  }
0x33a: {  	v8 =	vadd.f32 v8, v50;
	_ =	sdelay $0x1  }
0x33b: {  	s30 =	spop (v2sf);
	v8 =	vmul.f32 v8, v4  }
0x33c: {  	(v2sf) =	vpush v7, $0x7;
	v52 =	vld [tilespmem:s30+$0x0]  }
0x33d: {  	v8 =	vadd.f32 v8, v51;
	_ =	sdelay $0x1  }
0x33e: {  	s31 =	spop (v2sf);
	v8 =	vmul.f32 v8, v4  }
0x33f: {  	(v2sf) =	vpush v7, $0x6;
	v53 =	vld [tilespmem:s31+$0x0]  }
0x340: {  	v8 =	vadd.f32 v8, v52;
	_ =	sdelay $0x1  }
0x341: {  	s21 =	spop (v2sf);
	v8 =	vmul.f32 v8, v4  }
0x342: {  	(v2sf) =	vpush v7, $0x5;
	v54 =	vld [tilespmem:s21+$0x0]  }
0x343: {  	v8 =	vadd.f32 v8, v53;
	_ =	sdelay $0x1  }
0x344: {  	s22 =	spop (v2sf);
	v8 =	vmul.f32 v8, v4  }
0x345: {  	(v2sf) =	vpush v7, $0x4;
	v55 =	vld [tilespmem:s22+$0x0]  }
0x346: {  	v8 =	vadd.f32 v8, v54;
	_ =	sdelay $0x1  }
0x347: {  	s23 =	spop (v2sf);
	v8 =	vmul.f32 v8, v4  }
0x348: {  	(v2sf) =	vpush v7, $0x3;
	v56 =	vld [tilespmem:s23+$0x0]  }
0x349: {  	v8 =	vadd.f32 v8, v55;
	_ =	sdelay $0x1  }
0x34a: {  	s24 =	spop (v2sf);
	v8 =	vmul.f32 v8, v4  }
0x34b: {  	(v2sf) =	vpush v7, $0x2;
	v57 =	vld [tilespmem:s24+$0x0]  }
0x34c: {  	v8 =	vadd.f32 v8, v56;
	_ =	sdelay $0x1  }
0x34d: {  	s25 =	spop (v2sf);
	v8 =	vmul.f32 v8, v4  }
0x34e: {  	(v2sf) =	vpush v7, $0x1;
	v58 =	vld [tilespmem:s25+$0x0]  }
0x34f: {  	v8 =	vadd.f32 v8, v57;
	_ =	sdelay $0x1  }
0x350: {  	s26 =	spop (v2sf);
	v8 =	vmul.f32 v8, v4  }
0x351: {  	(v2sf) =	vpush v7, $0x0;
	v59 =	vld [tilespmem:s26+$0x0]  }
0x352: {  	v7 =	vadd.f32 v8, v58;
	_ =	sdelay $0x1  }
0x353: {  	s28 =	spop (v2sf);
	v7 =	vmul.f32 v7, v4  }
0x354: {  	v60 =	vld [tilespmem:s28+$0x0]  }
0x355: {  	v7 =	vadd.f32 v7, v59;
	_ =	sdelay $0x1  }
0x356: {  	s29 =	spop (v2sf);
	v7 =	vmul.f32 v7, v4  }
0x357: {  	v61 =	vld [tilespmem:s29+$0x0]  }
0x358: {  	v7 =	vadd.f32 v7, v60;
	_ =	sdelay $0x1  }
0x359: {  	s30 =	spop (v2sf);
	v7 =	vmul.f32 v7, v4  }
0x35a: {  	v62 =	vld [tilespmem:s30+$0x0]  }
0x35b: {  	v7 =	vadd.f32 v7, v61;
	_ =	sdelay $0x1  }
0x35c: {  	s31 =	spop (v2sf);
	v7 =	vmul.f32 v7, v4  }
0x35d: {  	v63 =	vld [tilespmem:s31+$0x0]  }
0x35e: {  	v7 =	vadd.f32 v7, v62;
	_ =	sdelay $0x1  }
0x35f: {  	v7 =	vmul.f32 v7, v4;
	_ =	sdelay $0x1  }
0x360: {  	v5 =	vadd.f32 v6, v5;
	v6 =	vadd.f32 v7, v63  }
0x361: {  	s19 =	sadd.s32 $0x10, s19  }
0x362: {  	[tilespmem:s19+$0x0] =	vst v6;
	v5 =	vadd.f32 v6, v5  }
.LBB2_8:
0x363: {  	s19 =	simm.s32 $0x0  }
0x364: {  	v11 =	vld [tilespmem:s19+$0x0]  }
0x365: {  	v10 =	vld [tilespmem:s19+$0x10]  }
0x366: {  	v9 =	vld [tilespmem:s19+$0x20]  }
0x367: {  	v8 =	vld [tilespmem:s19+$0x30]  }
0x368: {  	v7 =	vld [tilespmem:s19+$0x40]  }
0x369: {  	v6 =	vld [tilespmem:s19+$0x50]  }
0x36a: {  	v12 =	vld [tilespmem:s19+$0x6A50]  }
0x36b: {  	v13 =	vld [tilespmem:s19+$0x6A60]  }
0x36c: {  	v17 =	vld [tilespmem:s19+$0x6A70]  }
0x36d: {  	v5 =	vmul.f32 $4.999999890e-03, v5;
	v21 =	vld [tilespmem:s19+$0x6A80]  }
0x36e: {  	v16 =	vld [tilespmem:s19+$0x6A90]  }
0x36f: {  	v15 =	vld [tilespmem:s19+$0x6AA0];
	v12 =	vsub.f32 v12, v5  }
0x370: {  	v14 =	vld [tilespmem:s19+$0x6AB0];
	v19 =	vsub.f32 v13, v5  }
0x371: {  	v13 =	vld [tilespmem:s19+$0x6AC0];
	v18 =	vsub.f32 v17, v5;
	v20 =	vmul.f32 v12, v4  }
0x372: {  	s20 =	simm.s32 $0x280;
	v17 =	vsub.f32 v21, v5;
	v19 =	vmul.f32 v19, v4;
	v12 =	vld [tilespmem:s19+$0x6AD0]  }
.LBB2_9:
0x373: {  	p0 =	sne.s32 s20, $0x2F80;
	v11 =	vadd.f32 v20, v11;
	v18 =	vmul.f32 v18, v4;
	v16 =	vsub.f32 v16, v5;
	v20 =	vld [tilespmem:s19+$0x6AE0]  }
0x374: {  	v10 =	vadd.f32 v19, v10;
	v17 =	vmul.f32 v17, v4;
	v15 =	vsub.f32 v15, v5;
	v19 =	vld [tilespmem:s19+$0x60]  }
0x375: {  	[tilespmem:s19+$0x6A50] =	vst v11;
	v9 =	vadd.f32 v18, v9;
	v11 =	vmul.f32 v16, v4;
	v14 =	vsub.f32 v14, v5;
	v16 =	vld [tilespmem:s19+$0x70]  }
0x376: {  	[tilespmem:s19+$0x6A60] =	vst v10;
	v8 =	vadd.f32 v17, v8;
	v10 =	vmul.f32 v15, v4;
	v13 =	vsub.f32 v13, v5;
	v15 =	vld [tilespmem:s19+$0x80]  }
0x377: {  	s21 =	sshra.s32 s20, $0x2;
	[tilespmem:s19+$0x6A70] =	vst v9;
	v7 =	vadd.f32 v11, v7;
	v9 =	vmul.f32 v14, v4;
	v12 =	vsub.f32 v12, v5;
	v14 =	vld [tilespmem:s19+$0x90]  }
0x378: {  	v11 =	vld [tilespmem:s21+$0x0];
	[tilespmem:s19+$0x6A80] =	vst v8;
	v6 =	vadd.f32 v10, v6;
	v8 =	vmul.f32 v13, v4;
	v13 =	vsub.f32 v20, v5  }
0x379: {  	v10 =	vld [tilespmem:s21+$0x10];
	[tilespmem:s19+$0x6A90] =	vst v7;
	v7 =	vadd.f32 v9, v19;
	v12 =	vmul.f32 v12, v4  }
0x37a: {  	v9 =	vld [tilespmem:s21+$0x20];
	[tilespmem:s19+$0x6AA0] =	vst v6;
	v6 =	vadd.f32 v8, v16;
	v13 =	vmul.f32 v13, v4  }
0x37b: {  	v8 =	vld [tilespmem:s21+$0x30];
	[tilespmem:s19+$0x6AB0] =	vst v7;
	v12 =	vadd.f32 v12, v15  }
0x37c: {  	v7 =	vld [tilespmem:s21+$0x40];
	[tilespmem:s19+$0x6AC0] =	vst v6;
	v13 =	vadd.f32 v13, v14  }
0x37d: {  	v6 =	vld [tilespmem:s21+$0x50];
	[tilespmem:s19+$0x6AD0] =	vst v12  }
0x37e: {  	v12 =	vld [tilespmem:s21+$0x6A50];
	[tilespmem:s19+$0x6AE0] =	vst v13;
	s19 =	smov.u32 s21  }
0x37f: {  	v13 =	vld [tilespmem:s19+$0x6A60]  }
0x380: {  	v17 =	vld [tilespmem:s19+$0x6A70]  }
0x381: {  	v21 =	vld [tilespmem:s19+$0x6A80]  }
.Ltmp4:
0x382: {  	v16 =	vld [tilespmem:s19+$0x6A90];
	(pc) =	sbr.rel @p0 .LBB2_9-.Ltmp4, $4  }
0x383: {  	v12 =	vsub.f32 v12, v5;
	v15 =	vld [tilespmem:s19+$0x6AA0]  }
0x384: {  	v19 =	vsub.f32 v13, v5;
	v14 =	vld [tilespmem:s19+$0x6AB0]  }
0x385: {  	v20 =	vmul.f32 v12, v4;
	v18 =	vsub.f32 v17, v5;
	v13 =	vld [tilespmem:s19+$0x6AC0]  }
0x386: {  	s20 =	sadd.s32 $0x280, s20;
	v19 =	vmul.f32 v19, v4;
	v17 =	vsub.f32 v21, v5;
	v12 =	vld [tilespmem:s19+$0x6AD0]  }
0x387: {  	v11 =	vadd.f32 v20, v11;
	v51 =	vld [tilespmem:s19+$0x6AE0];
	v18 =	vmul.f32 v18, v4;
	v52 =	vsub.f32 v16, v5  }
0x388: {  	v21 =	vld [tilespmem:s19+$0x60];
	v10 =	vadd.f32 v19, v10;
	v17 =	vmul.f32 v17, v4;
	v15 =	vsub.f32 v15, v5  }
0x389: {  	v53 =	vld [tilespmem:s19+$0x70];
	[tilespmem:s19+$0x6A50] =	vst v11;
	v9 =	vadd.f32 v18, v9;
	v54 =	vmul.f32 v52, v4;
	v55 =	vsub.f32 v14, v5  }
0x38a: {  	v56 =	vld [tilespmem:s19+$0x80];
	[tilespmem:s19+$0x6A60] =	vst v10;
	v8 =	vadd.f32 v17, v8;
	v15 =	vmul.f32 v15, v4;
	v13 =	vsub.f32 v13, v5  }
0x38b: {  	v59 =	vld [tilespmem:s19+$0x90];
	[tilespmem:s19+$0x6A70] =	vst v9;
	v7 =	vadd.f32 v54, v7;
	v57 =	vmul.f32 v55, v4;
	v58 =	vsub.f32 v12, v5  }
0x38c: {  	[tilespmem:s19+$0x6A80] =	vst v8;
	v6 =	vadd.f32 v15, v6;
	v60 =	vmul.f32 v13, v4;
	v5 =	vsub.f32 v51, v5  }
0x38d: {  	[tilespmem:s19+$0x6A90] =	vst v7;
	v61 =	vadd.f32 v57, v21;
	v62 =	vmul.f32 v58, v4  }
0x38e: {  	[tilespmem:s19+$0x6AA0] =	vst v6;
	v63 =	vadd.f32 v60, v53;
	v4 =	vmul.f32 v5, v4  }
0x38f: {  	[tilespmem:s19+$0x6AB0] =	vst v61;
	v5 =	vadd.f32 v62, v56  }
0x390: {  	s18 =	sadd.s32 $0x1, s18;
	[tilespmem:s19+$0x6AC0] =	vst v63;
	v4 =	vadd.f32 v4, v59  }
0x391: {  	p0 =	sne.s32 s18, s7;
	[tilespmem:s19+$0x6AD0] =	vst v5  }
.Ltmp5:
0x392: {  	[tilespmem:s19+$0x6AE0] =	vst v4;
	(pc) =	sbr.rel @p0 .LBB2_1-.Ltmp5, $4  }
0x393: {  	[hbm4b:s6+s8] =	stream.strided.scatter [tilespmem:s16], [sflag:$0x3], $0xC80, s9, s8, $0x38;
	[tilespmem:$0x76D0] =	vst v63  }
0x394: {  	_ =	swait.ge [sflag:s13], $0xC80  }
0x395: {  	[sflag:s13] =	ssyncset.done $0x0  }
0x396: {  	[sflag:s13] =	ssyncadd.s32 $0xFFFFF380  }
0x397: {  	_ =	sfence.sel $0x180000  }
0x398: {  	[bflag:$0x0] =	sbarrier.arrive $0xFFFF  }
0x399: {  	p0 =	sne.s32 s1, $0x0;
	_ =	strace $0x90000047  }
0x39a: {  	s0 =	sadd.s32 @!p0 $0x100000, s0;
	[bflag:$0x2] =	sbarrier.arrive $0xFFFF  }
0x39b: {  	[sflag:s0] =	ssyncadd.tile.s32 @!p0 $0x1;
	_ =	shalt  }
.Lfunc_end2:
_tile_overlayer_lowered:
.L_overlay_start_2:
0x39c: {  	(tag) =	ssettag $0x2  }
0x39d: {  	s0 =	rddreg [dreg:$0x0];
	s2 =	stileid.u32  }
0x39e: {  	s1 =	rddreg [dreg:$0x1];
	p0 =	sne.s32 s2, $0x0  }
0x39f: {  	s3 =	rddreg [dreg:$0x2];
	[bflag:$0x3] =	sbarrier.arrive $0xFFFF;
	s2 =	simm.s32 @!p0 $0x1C03  }
0x3a0: {  	[timem:s3], [sflag:s2] =	dma.local @!p0 [hbm:s0], s1  }
0x3a1: {  	s0 =	simm.s32 @!p0 $0x3  }
0x3a2: {  	_ =	swait.ge @!p0 [sflag:s0], s1  }
0x3a3: {  	s1 =	ssub.s32 @!p0 $0x0, s1;
	[sflag:s0] =	ssyncset.done @!p0 $0x0  }
0x3a4: {  	[sflag:s0] =	ssyncadd.s32 @!p0 s1  }
0x3a5: {  	[bflag:$0x3] =	sbarrier.arrive $0xFFFF  }
0x3a6: {  	_ =	shalt  }

</sc_bundles>
